<compile_context>
chip_gen: v7x
topology: tpu7x:2x2x1
jax: 0.10.2.dev20260603
libtpu: 0.0.44.dev20260713+nightly
codegen_flags: <defaults>
</compile_context>

<pallas_src>
import functools

import jax
import jax.numpy as jnp
from jax import lax
from jax.experimental import pallas as pl
from jax.experimental.pallas import tpu as pltpu
from jax.experimental.pallas import tpu_sc as plsc

N = 10000
K = 128
P = 128
E = 320000

NC = 2
NS = 16
NW = NC * NS

CHUNK = 128
N_CHUNKS = 79
EW = N_CHUNKS * CHUNK
E_PAD = EW * NW
L = 16

N_SP = 10112
ROWS_PER_TILE = N_SP // NS
DEG_SP = 10240
DEG_SLICE = DEG_SP // NS

BR_A = 2000
GRID = N // BR_A



def _sc_body(comb_hbm, mu_hbm, agg_out, deg_out, *refs):
    (c0, c1, d0, d1, x0, x1, r0, r1,
     ones_v, zrow_v, zdeg_v, agg_sh, deg_sh, g0, g1) = refs
    comb = (c0, c1)
    didx = (d0, d1)
    sidx = (x0, x1)
    rows = (r0, r1)
    gsem = (g0, g1)

    c = lax.axis_index("c")
    s = lax.axis_index("s")
    wid = s * NC + c
    ebase = wid * EW

    def _load_idx(k, b):
        pltpu.sync_copy(comb_hbm.at[pl.ds(ebase + k * CHUNK, CHUNK)],
                        comb[b])
        for j in range(CHUNK // L):
            w = comb[b][pl.ds(j * L, L)]
            didx[b][pl.ds(j * L, L)] = w >> 16
            sidx[b][pl.ds(j * L, L)] = w & 0xFFFF

    def _issue_gather(b):
        pltpu.async_copy(mu_hbm.at[didx[b]], rows[b], gsem[b])

    def _wait_gather(b):
        pltpu.make_async_copy(mu_hbm.at[didx[b]], rows[b], gsem[b]).wait()

    def _sync_scatter(b):
        pltpu.sync_copy(rows[b], agg_sh.at[sidx[b]], add=True)
        pltpu.sync_copy(ones_v, deg_sh.at[sidx[b]], add=True)

    def _fill_zrow(i, _):
        for j in range(P // L):
            zrow_v[i, pl.ds(j * L, L)] = jnp.zeros((L,), jnp.float32)
        return 0
    lax.fori_loop(0, 8, _fill_zrow, 0)
    for j in range(CHUNK // L):
        ones_v[pl.ds(j * L, L)] = jnp.ones((L,), jnp.float32)

    row0 = pl.multiple_of(s * ROWS_PER_TILE, 8)
    def _zero(r, _):
        off = pl.multiple_of(row0 + r * 8, 8)
        pltpu.sync_copy(zrow_v, agg_sh.at[pl.ds(off, 8)])
        return 0
    lax.fori_loop(0, ROWS_PER_TILE // 8, _zero, 0)
    def _fill_zdeg(i, _):
        o = pl.multiple_of(i * L, L)
        zdeg_v[pl.ds(o, L)] = jnp.zeros((L,), jnp.float32)
        return 0
    lax.fori_loop(0, DEG_SLICE // L, _fill_zdeg, 0)
    dgrow0 = pl.multiple_of(s * DEG_SLICE, 128)
    pltpu.sync_copy(zdeg_v, deg_sh.at[pl.ds(dgrow0, DEG_SLICE)])
    plsc.subcore_barrier()

    _load_idx(0, 0)
    _issue_gather(0)

    def _pair(i, _):
        for b in (0, 1):
            k = i * 2 + b
            bn = 1 - b
            _load_idx(k + 1, bn)
            _issue_gather(bn)
            _wait_gather(b)
            _sync_scatter(b)
        return 0
    lax.fori_loop(0, (N_CHUNKS - 1) // 2, _pair, 0)

    _wait_gather(0)
    _sync_scatter(0)
    plsc.subcore_barrier()

    def _out(r, _):
        off = pl.multiple_of(row0 + r * CHUNK, 8)
        pltpu.sync_copy(agg_sh.at[pl.ds(off, CHUNK)],
                        agg_out.at[c, pl.ds(off, CHUNK)])
        return 0
    lax.fori_loop(0, ROWS_PER_TILE // CHUNK, _out, 0)
    if ROWS_PER_TILE % CHUNK:
        offt = pl.multiple_of(row0 + (ROWS_PER_TILE // CHUNK) * CHUNK, 8)
        pltpu.sync_copy(agg_sh.at[pl.ds(offt, ROWS_PER_TILE % CHUNK)],
                        agg_out.at[c, pl.ds(offt, ROWS_PER_TILE % CHUNK)])
    dflat0 = pl.multiple_of(c * DEG_SP + dgrow0, 128)
    pltpu.sync_copy(deg_sh.at[pl.ds(dgrow0, DEG_SLICE)],
                    deg_out.at[pl.ds(dflat0, DEG_SLICE)])


@functools.cache
def _get_sc_call():
  return pl.kernel(
    _sc_body,
    out_type=[
        jax.ShapeDtypeStruct((NC, N_SP, P), jnp.float32),
        jax.ShapeDtypeStruct((NC * DEG_SP,), jnp.float32),
    ],
    mesh=plsc.VectorSubcoreMesh(core_axis_name="c", subcore_axis_name="s",
                                num_cores=NC, num_subcores=NS),
    scratch_types=(
        [pltpu.VMEM((CHUNK,), jnp.int32) for _ in range(6)]
        + [pltpu.VMEM((CHUNK, P), jnp.float32) for _ in range(2)]
        + [
            pltpu.VMEM((CHUNK,), jnp.float32),
            pltpu.VMEM((8, P), jnp.float32),
            pltpu.VMEM((DEG_SLICE,), jnp.float32),
            pltpu.VMEM_SHARED((N_SP, P), jnp.float32),
            pltpu.VMEM_SHARED((DEG_SP,), jnp.float32),
        ]
        + [pltpu.SemaphoreType.DMA for _ in range(2)]
    ),
  )



def _mu_body(x_ref, sv_ref, tv_ref, t1s_ref, t1t_ref, t2T_ref, mu_ref):
    xb = x_ref[...]
    nrm = jnp.sqrt(jnp.sum(xb * xb, axis=1, keepdims=True))
    nrm = jnp.where(nrm == 0.0, 1.0, nrm)
    xn = xb / nrm
    lin = (sv_ref[...] * t1s_ref[...] + tv_ref[...] * t1t_ref[...]
           + jnp.dot(xn, t2T_ref[...], preferred_element_type=jnp.float32))
    mu_ref[...] = jnp.maximum(lin, 0.0)


def _make_mu_call(interpret=False):
  return pl.pallas_call(
    _mu_body,
    grid=(GRID,),
    in_specs=[
        pl.BlockSpec((BR_A, K), lambda i: (i, 0)),
        pl.BlockSpec((BR_A, 1), lambda i: (i, 0)),
        pl.BlockSpec((BR_A, 1), lambda i: (i, 0)),
        pl.BlockSpec((1, P), lambda i: (0, 0)),
        pl.BlockSpec((1, P), lambda i: (0, 0)),
        pl.BlockSpec((K, P), lambda i: (0, 0)),
    ],
    out_specs=pl.BlockSpec((BR_A, P), lambda i: (i, 0)),
    out_shape=jax.ShapeDtypeStruct((N, P), jnp.float32),
    interpret=interpret,
  )


_mu_call = _make_mu_call()


def _b1_body(mu_ref, a0_ref, a1_ref, d0_ref, d1_ref, hA_ref, hB_ref,
             t5T_ref, t3d_ref, qp_ref, acc_ref):
    mu_b = mu_ref[...]
    deg = d0_ref[...] + d1_ref[...]
    sres = deg * mu_b - a0_ref[0] - a1_ref[0]
    mp = (jnp.dot(jnp.maximum(mu_b, 0.0), hA_ref[...],
                  preferred_element_type=jnp.float32)
          + jnp.dot(jnp.maximum(sres, 0.0), hB_ref[...],
                    preferred_element_type=jnp.float32))
    down = jnp.dot(mp, t5T_ref[...], preferred_element_type=jnp.float32)
    qp_ref[...] = jnp.dot(jnp.maximum(down, 0.0), t3d_ref[...],
                          preferred_element_type=jnp.float32)
    part = jnp.sum(mp, axis=0, keepdims=True)

    @pl.when(pl.program_id(0) == 0)
    def _():
        acc_ref[...] = part

    @pl.when(pl.program_id(0) > 0)
    def _():
        acc_ref[...] += part


def _make_b1_call(interpret=False):
  return pl.pallas_call(
    _b1_body,
    grid=(GRID,),
    in_specs=[
        pl.BlockSpec((BR_A, P), lambda i: (i, 0)),
        pl.BlockSpec((1, BR_A, P), lambda i: (0, i, 0)),
        pl.BlockSpec((1, BR_A, P), lambda i: (1, i, 0)),
        pl.BlockSpec((BR_A, 1), lambda i: (i, 0)),
        pl.BlockSpec((BR_A, 1), lambda i: (i, 0)),
        pl.BlockSpec((P, P), lambda i: (0, 0)),
        pl.BlockSpec((P, P), lambda i: (0, 0)),
        pl.BlockSpec((P, P), lambda i: (0, 0)),
        pl.BlockSpec((P, 1), lambda i: (0, 0)),
    ],
    out_specs=[
        pl.BlockSpec((BR_A, 1), lambda i: (i, 0)),
        pl.BlockSpec((1, P), lambda i: (0, 0)),
    ],
    out_shape=[
        jax.ShapeDtypeStruct((N, 1), jnp.float32),
        jax.ShapeDtypeStruct((1, P), jnp.float32),
    ],
    interpret=interpret,
  )


_b1_call = _make_b1_call()


def _b2_body(qp_ref, smu_ref, t4T_ref, t3u_ref, q_ref):
    up = jnp.dot(smu_ref[...], t4T_ref[...],
                 preferred_element_type=jnp.float32)
    cval = jnp.sum(jnp.maximum(up, 0.0) * t3u_ref[...])
    q_ref[...] = qp_ref[...] + cval


def _make_b2_call(interpret=False):
  return pl.pallas_call(
    _b2_body,
    grid=(GRID,),
    in_specs=[
        pl.BlockSpec((BR_A, 1), lambda i: (i, 0)),
        pl.BlockSpec((1, P), lambda i: (0, 0)),
        pl.BlockSpec((P, P), lambda i: (0, 0)),
        pl.BlockSpec((1, P), lambda i: (0, 0)),
    ],
    out_specs=pl.BlockSpec((BR_A, 1), lambda i: (i, 0)),
    out_shape=jax.ShapeDtypeStruct((N, 1), jnp.float32),
    interpret=interpret,
  )


_b2_call = _make_b2_call()


def kernel(x, s_v, t_v, edge_index, theta1, theta2, theta3, theta4, theta5,
           h_theta):
    src = edge_index[0].astype(jnp.int32)
    dst = edge_index[1].astype(jnp.int32)
    pad_e = E_PAD - E
    pad_ar = jnp.arange(pad_e, dtype=jnp.int32)
    src_p = jnp.concatenate([src, N + pad_ar % (N_SP - N)])
    dst_p = jnp.concatenate([dst, pad_ar % N])
    comb_p = src_p | (dst_p << 16)

    t1s = theta1[:, 0][None, :]
    t1t = theta1[:, 1][None, :]
    t2T = theta2.T
    hA = h_theta[:, :P].T
    hB = h_theta[:, P:].T
    t4T = theta4.T
    t5T = theta5.T
    t3u = theta3[:P, 0][None, :]
    t3d = theta3[P:, :]

    mu = _mu_call(x, s_v[:, None], t_v[:, None], t1s, t1t, t2T)
    agg2, degf = _get_sc_call()(comb_p, mu)
    deg0 = degf[:N, None]
    deg1 = degf[DEG_SP:DEG_SP + N, None]
    qp, smu = _b1_call(mu, agg2, agg2, deg0, deg1, hA, hB, t5T, t3d)
    return _b2_call(qp, smu, t4T, t3u)

# --- scband reference (transcript-rebuilt; emitter-appended) ---
"""Pipeline reference for scband-qnetwork-73538430042520 (READ-ONLY COPY).

The authoritative reference and input builder live on the scoring server;
editing this copy changes nothing except your own understanding.
"""

import jax, jax.numpy as jnp
import numpy as np

P = 128
K = 128
N = 10000
E = 320000

def _xavier(key, shape):
    fan_in, fan_out = shape[1], shape[0]
    bound = float(np.sqrt(6.0 / (fan_in + fan_out)))
    return jax.random.uniform(key, shape, dtype=jnp.float32, minval=-bound, maxval=bound)

def setup_inputs(seed: int = 0) -> dict:
    key = jax.random.key(seed)
    ks = jax.random.split(key, 10)
    x = jax.random.normal(ks[0], (N, K), dtype=jnp.float32)
    s_v = jax.random.uniform(ks[1], (N,), dtype=jnp.float32)
    t_v = jax.random.uniform(ks[2], (N,), dtype=jnp.float32)
    edge_index = jax.random.randint(ks[3], (2, E), 0, N, dtype=jnp.int64 if jax.config.jax_enable_x64 else jnp.int32)
    theta1 = _xavier(ks[4], (P, 2))
    theta2 = _xavier(ks[5], (P, K))
    theta3 = _xavier(ks[6], (2 * P, 1))
    theta4 = _xavier(ks[7], (P, P))
    theta5 = _xavier(ks[8], (P, P))
    h_theta = _xavier(ks[9], (P, 2 * P))
    return {"x": x, "s_v": s_v, "t_v": t_v, "edge_index": edge_index,
            "theta1": theta1, "theta2": theta2, "theta3": theta3,
            "theta4": theta4, "theta5": theta5, "h_theta": h_theta}

def reference(x, s_v, t_v, edge_index, theta1, theta2, theta3, theta4, theta5, h_theta):
    n = x.shape[0]
    p = theta1.shape[0]
    # per-node normalized features x_v = matrix[node]^T / ||matrix[node]|| (norm 0 -> 1)
    norm = jnp.linalg.norm(x, axis=1, keepdims=True)
    norm = jnp.where(norm == 0, 1.0, norm)
    xn = x / norm
    # connection = [s_v[node], t_v[node]]
    conn = jnp.stack([s_v, t_v], axis=1)  # [N, 2]
    # mu_v = relu(theta1 @ connection + theta2 @ x_v)
    mu = jax.nn.relu(conn @ theta1.T + xn @ theta2.T)  # [N, p]
    src = edge_index[0]
    dst = edge_index[1]
    # s = sum_{neighbor} (mu[node] - mu[neighbor]) = deg*mu[node] - sum mu[neighbor]
    agg = jax.ops.segment_sum(jnp.take(mu, dst, axis=0), src, num_segments=n)
    deg = jax.ops.segment_sum(jnp.ones((edge_index.shape[1],), dtype=mu.dtype), src, num_segments=n)
    s = deg[:, None] * mu - agg  # [N, p]
    node_info = jax.nn.relu(jnp.concatenate([mu, s], axis=1))  # [N, 2p]
    mu_prime = node_info @ h_theta.T  # [N, p]
    sum_mu_prime = jnp.sum(mu_prime, axis=0)  # [p]
    up = theta4 @ sum_mu_prime  # [p]
    down = mu_prime @ theta5.T  # [N, p]
    relu_res = jax.nn.relu(jnp.concatenate([jnp.broadcast_to(up[None, :], (n, p)), down], axis=1))  # [N, 2p]
    Q = relu_res @ theta3  # [N, 1]
    return Q

if __name__ == "__main__":
    import jax
    _d = setup_inputs()
    print(jax.jit(kernel)(*tuple(_d.values())))

</pallas_src>

<mosaic_0001>
#map = affine_map<(d0, d1) -> (0)>
#map1 = affine_map<(d0, d1) -> (0, 0)>
#map2 = affine_map<(d0, d1) -> (0, 0, 0)>
module attributes {stable_mosaic.version = 14 : i64} {
  func.func @_sc_body(%arg0: i32, %arg1: i32, %arg2: memref<323584xi32, #tpu.memory_space<hbm>>, %arg3: memref<10000x128xf32, #tpu.memory_space<hbm>>, %arg4: memref<2x10112x128xf32, #tpu.memory_space<hbm>>, %arg5: memref<20480xf32, #tpu.memory_space<hbm>>, %arg6: memref<128xi32, #tpu.memory_space<vmem>>, %arg7: memref<128xi32, #tpu.memory_space<vmem>>, %arg8: memref<128xi32, #tpu.memory_space<vmem>>, %arg9: memref<128xi32, #tpu.memory_space<vmem>>, %arg10: memref<128xi32, #tpu.memory_space<vmem>>, %arg11: memref<128xi32, #tpu.memory_space<vmem>>, %arg12: memref<128x128xf32, #tpu.memory_space<vmem>>, %arg13: memref<128x128xf32, #tpu.memory_space<vmem>>, %arg14: memref<128xf32, #tpu.memory_space<vmem>>, %arg15: memref<8x128xf32, #tpu.memory_space<vmem>>, %arg16: memref<640xf32, #tpu.memory_space<vmem>>, %arg17: memref<10112x128xf32, #tpu.memory_space<vmem_shared>>, %arg18: memref<10240xf32, #tpu.memory_space<vmem_shared>>, %arg19: memref<!tpu.dma_semaphore, #tpu.memory_space<semaphore_mem>>, %arg20: memref<!tpu.dma_semaphore, #tpu.memory_space<semaphore_mem>>) attributes {dimension_semantics = [#tpu.dimension_semantics<core_parallel>, #tpu.dimension_semantics<subcore_parallel>], iteration_bounds = array<i64: 2, 16>, scalar_prefetch = 0 : i64, scratch_operands = 15 : i64, tpu.core_type = #tpu.core_type<sc_vector_subcore>, window_params = [{transform_indices = #map}, {transform_indices = #map1}, {transform_indices = #map2}, {transform_indices = #map}]} {
    %mul3A = arith.constant 2 : i32
    %mul3A_0 = arith.muli %arg1, %mul3A : i32
    %add3A = arith.addi %mul3A_0, %arg0 : i32
    %mul3A_1 = arith.constant 10112 : i32
    %mul3A_2 = arith.muli %add3A, %mul3A_1 : i32
    %scan3A = arith.constant 0 : i32
    %scan3A_3 = arith.constant 0 : i32
    %scan3A_4 = arith.constant 8 : i32
    %scan3A_5 = arith.addi %scan3A_3, %scan3A_4 : i32
    %scan3A_6 = arith.constant 1 : i32
    %scan3A_7 = scf.for %scan3A_235 = %scan3A_3 to %scan3A_5 step %scan3A_6 iter_args(%scan3A_236 = %scan3A) -> (i32)  : i32 {
      %broadcast_in_dim3A_237 = arith.constant 0.000000e+00 : f32
      %broadcast_in_dim3A_238 = vector.broadcast %broadcast_in_dim3A_237 : f32 to vector<16xf32>
      %swap3A_239 = arith.index_cast %scan3A_235 : i32 to index
      %swap3A_240 = arith.constant 0 : index
      %swap3A_241 = tpu.vector_load %arg15[%swap3A_239, %swap3A_240] {strides = array<i32>} : memref<8x128xf32, #tpu.memory_space<vmem>>, vector<1x16xf32>,
      %swap3A_242 = vector.shape_cast %swap3A_241 : vector<1x16xf32> to vector<16xf32>
      %swap3A_243 = vector.shape_cast %broadcast_in_dim3A_238 : vector<16xf32> to vector<1x16xf32>
      tpu.vector_store %arg15[%swap3A_239, %swap3A_240], %swap3A_243 {strides = array<i32>} : memref<8x128xf32, #tpu.memory_space<vmem>>, vector<1x16xf32>,
      %broadcast_in_dim3A_244 = arith.constant 0.000000e+00 : f32
      %broadcast_in_dim3A_245 = vector.broadcast %broadcast_in_dim3A_244 : f32 to vector<16xf32>
      %swap3A_246 = arith.index_cast %scan3A_235 : i32 to index
      %swap3A_247 = arith.constant 16 : index
      %swap3A_248 = tpu.vector_load %arg15[%swap3A_246, %swap3A_247] {strides = array<i32>} : memref<8x128xf32, #tpu.memory_space<vmem>>, vector<1x16xf32>,
      %swap3A_249 = vector.shape_cast %swap3A_248 : vector<1x16xf32> to vector<16xf32>
      %swap3A_250 = vector.shape_cast %broadcast_in_dim3A_245 : vector<16xf32> to vector<1x16xf32>
      tpu.vector_store %arg15[%swap3A_246, %swap3A_247], %swap3A_250 {strides = array<i32>} : memref<8x128xf32, #tpu.memory_space<vmem>>, vector<1x16xf32>,
      %broadcast_in_dim3A_251 = arith.constant 0.000000e+00 : f32
      %broadcast_in_dim3A_252 = vector.broadcast %broadcast_in_dim3A_251 : f32 to vector<16xf32>
      %swap3A_253 = arith.index_cast %scan3A_235 : i32 to index
      %swap3A_254 = arith.constant 32 : index
      %swap3A_255 = tpu.vector_load %arg15[%swap3A_253, %swap3A_254] {strides = array<i32>} : memref<8x128xf32, #tpu.memory_space<vmem>>, vector<1x16xf32>,
      %swap3A_256 = vector.shape_cast %swap3A_255 : vector<1x16xf32> to vector<16xf32>
      %swap3A_257 = vector.shape_cast %broadcast_in_dim3A_252 : vector<16xf32> to vector<1x16xf32>
      tpu.vector_store %arg15[%swap3A_253, %swap3A_254], %swap3A_257 {strides = array<i32>} : memref<8x128xf32, #tpu.memory_space<vmem>>, vector<1x16xf32>,
      %broadcast_in_dim3A_258 = arith.constant 0.000000e+00 : f32
      %broadcast_in_dim3A_259 = vector.broadcast %broadcast_in_dim3A_258 : f32 to vector<16xf32>
      %swap3A_260 = arith.index_cast %scan3A_235 : i32 to index
      %swap3A_261 = arith.constant 48 : index
      %swap3A_262 = tpu.vector_load %arg15[%swap3A_260, %swap3A_261] {strides = array<i32>} : memref<8x128xf32, #tpu.memory_space<vmem>>, vector<1x16xf32>,
      %swap3A_263 = vector.shape_cast %swap3A_262 : vector<1x16xf32> to vector<16xf32>
      %swap3A_264 = vector.shape_cast %broadcast_in_dim3A_259 : vector<16xf32> to vector<1x16xf32>
      tpu.vector_store %arg15[%swap3A_260, %swap3A_261], %swap3A_264 {strides = array<i32>} : memref<8x128xf32, #tpu.memory_space<vmem>>, vector<1x16xf32>,
      %broadcast_in_dim3A_265 = arith.constant 0.000000e+00 : f32
      %broadcast_in_dim3A_266 = vector.broadcast %broadcast_in_dim3A_265 : f32 to vector<16xf32>
      %swap3A_267 = arith.index_cast %scan3A_235 : i32 to index
      %swap3A_268 = arith.constant 64 : index
      %swap3A_269 = tpu.vector_load %arg15[%swap3A_267, %swap3A_268] {strides = array<i32>} : memref<8x128xf32, #tpu.memory_space<vmem>>, vector<1x16xf32>,
      %swap3A_270 = vector.shape_cast %swap3A_269 : vector<1x16xf32> to vector<16xf32>
      %swap3A_271 = vector.shape_cast %broadcast_in_dim3A_266 : vector<16xf32> to vector<1x16xf32>
      tpu.vector_store %arg15[%swap3A_267, %swap3A_268], %swap3A_271 {strides = array<i32>} : memref<8x128xf32, #tpu.memory_space<vmem>>, vector<1x16xf32>,
      %broadcast_in_dim3A_272 = arith.constant 0.000000e+00 : f32
      %broadcast_in_dim3A_273 = vector.broadcast %broadcast_in_dim3A_272 : f32 to vector<16xf32>
      %swap3A_274 = arith.index_cast %scan3A_235 : i32 to index
      %swap3A_275 = arith.constant 80 : index
      %swap3A_276 = tpu.vector_load %arg15[%swap3A_274, %swap3A_275] {strides = array<i32>} : memref<8x128xf32, #tpu.memory_space<vmem>>, vector<1x16xf32>,
      %swap3A_277 = vector.shape_cast %swap3A_276 : vector<1x16xf32> to vector<16xf32>
      %swap3A_278 = vector.shape_cast %broadcast_in_dim3A_273 : vector<16xf32> to vector<1x16xf32>
      tpu.vector_store %arg15[%swap3A_274, %swap3A_275], %swap3A_278 {strides = array<i32>} : memref<8x128xf32, #tpu.memory_space<vmem>>, vector<1x16xf32>,
      %broadcast_in_dim3A_279 = arith.constant 0.000000e+00 : f32
      %broadcast_in_dim3A_280 = vector.broadcast %broadcast_in_dim3A_279 : f32 to vector<16xf32>
      %swap3A_281 = arith.index_cast %scan3A_235 : i32 to index
      %swap3A_282 = arith.constant 96 : index
      %swap3A_283 = tpu.vector_load %arg15[%swap3A_281, %swap3A_282] {strides = array<i32>} : memref<8x128xf32, #tpu.memory_space<vmem>>, vector<1x16xf32>,
      %swap3A_284 = vector.shape_cast %swap3A_283 : vector<1x16xf32> to vector<16xf32>
      %swap3A_285 = vector.shape_cast %broadcast_in_dim3A_280 : vector<16xf32> to vector<1x16xf32>
      tpu.vector_store %arg15[%swap3A_281, %swap3A_282], %swap3A_285 {strides = array<i32>} : memref<8x128xf32, #tpu.memory_space<vmem>>, vector<1x16xf32>,
      %broadcast_in_dim3A_286 = arith.constant 0.000000e+00 : f32
      %broadcast_in_dim3A_287 = vector.broadcast %broadcast_in_dim3A_286 : f32 to vector<16xf32>
      %swap3A_288 = arith.index_cast %scan3A_235 : i32 to index
      %swap3A_289 = arith.constant 112 : index
      %swap3A_290 = tpu.vector_load %arg15[%swap3A_288, %swap3A_289] {strides = array<i32>} : memref<8x128xf32, #tpu.memory_space<vmem>>, vector<1x16xf32>,
      %swap3A_291 = vector.shape_cast %swap3A_290 : vector<1x16xf32> to vector<16xf32>
      %swap3A_292 = vector.shape_cast %broadcast_in_dim3A_287 : vector<16xf32> to vector<1x16xf32>
      tpu.vector_store %arg15[%swap3A_288, %swap3A_289], %swap3A_292 {strides = array<i32>} : memref<8x128xf32, #tpu.memory_space<vmem>>, vector<1x16xf32>,
      %scan3A_293 = arith.constant 0 : i32
      scf.yield %scan3A_293 : i32
    }
    %scan3A_8 = arith.constant 8 : i32
    %broadcast_in_dim3A = arith.constant 1.000000e+00 : f32
    %broadcast_in_dim3A_9 = vector.broadcast %broadcast_in_dim3A : f32 to vector<16xf32>
    %swap3A = arith.constant 0 : index
    %swap3A_10 = tpu.vector_load %arg14[%swap3A] {strides = array<i32>} : memref<128xf32, #tpu.memory_space<vmem>>, vector<16xf32>,
    %swap3A_11 = vector.shape_cast %swap3A_10 : vector<16xf32> to vector<16xf32>
    %swap3A_12 = vector.shape_cast %broadcast_in_dim3A_9 : vector<16xf32> to vector<16xf32>
    tpu.vector_store %arg14[%swap3A], %swap3A_12 {strides = array<i32>} : memref<128xf32, #tpu.memory_space<vmem>>, vector<16xf32>,
    %broadcast_in_dim3A_13 = arith.constant 1.000000e+00 : f32
    %broadcast_in_dim3A_14 = vector.broadcast %broadcast_in_dim3A_13 : f32 to vector<16xf32>
    %swap3A_15 = arith.constant 16 : index
    %swap3A_16 = tpu.vector_load %arg14[%swap3A_15] {strides = array<i32>} : memref<128xf32, #tpu.memory_space<vmem>>, vector<16xf32>,
    %swap3A_17 = vector.shape_cast %swap3A_16 : vector<16xf32> to vector<16xf32>
    %swap3A_18 = vector.shape_cast %broadcast_in_dim3A_14 : vector<16xf32> to vector<16xf32>
    tpu.vector_store %arg14[%swap3A_15], %swap3A_18 {strides = array<i32>} : memref<128xf32, #tpu.memory_space<vmem>>, vector<16xf32>,
    %broadcast_in_dim3A_19 = arith.constant 1.000000e+00 : f32
    %broadcast_in_dim3A_20 = vector.broadcast %broadcast_in_dim3A_19 : f32 to vector<16xf32>
    %swap3A_21 = arith.constant 32 : index
    %swap3A_22 = tpu.vector_load %arg14[%swap3A_21] {strides = array<i32>} : memref<128xf32, #tpu.memory_space<vmem>>, vector<16xf32>,
    %swap3A_23 = vector.shape_cast %swap3A_22 : vector<16xf32> to vector<16xf32>
    %swap3A_24 = vector.shape_cast %broadcast_in_dim3A_20 : vector<16xf32> to vector<16xf32>
    tpu.vector_store %arg14[%swap3A_21], %swap3A_24 {strides = array<i32>} : memref<128xf32, #tpu.memory_space<vmem>>, vector<16xf32>,
    %broadcast_in_dim3A_25 = arith.constant 1.000000e+00 : f32
    %broadcast_in_dim3A_26 = vector.broadcast %broadcast_in_dim3A_25 : f32 to vector<16xf32>
    %swap3A_27 = arith.constant 48 : index
    %swap3A_28 = tpu.vector_load %arg14[%swap3A_27] {strides = array<i32>} : memref<128xf32, #tpu.memory_space<vmem>>, vector<16xf32>,
    %swap3A_29 = vector.shape_cast %swap3A_28 : vector<16xf32> to vector<16xf32>
    %swap3A_30 = vector.shape_cast %broadcast_in_dim3A_26 : vector<16xf32> to vector<16xf32>
    tpu.vector_store %arg14[%swap3A_27], %swap3A_30 {strides = array<i32>} : memref<128xf32, #tpu.memory_space<vmem>>, vector<16xf32>,
    %broadcast_in_dim3A_31 = arith.constant 1.000000e+00 : f32
    %broadcast_in_dim3A_32 = vector.broadcast %broadcast_in_dim3A_31 : f32 to vector<16xf32>
    %swap3A_33 = arith.constant 64 : index
    %swap3A_34 = tpu.vector_load %arg14[%swap3A_33] {strides = array<i32>} : memref<128xf32, #tpu.memory_space<vmem>>, vector<16xf32>,
    %swap3A_35 = vector.shape_cast %swap3A_34 : vector<16xf32> to vector<16xf32>
    %swap3A_36 = vector.shape_cast %broadcast_in_dim3A_32 : vector<16xf32> to vector<16xf32>
    tpu.vector_store %arg14[%swap3A_33], %swap3A_36 {strides = array<i32>} : memref<128xf32, #tpu.memory_space<vmem>>, vector<16xf32>,
    %broadcast_in_dim3A_37 = arith.constant 1.000000e+00 : f32
    %broadcast_in_dim3A_38 = vector.broadcast %broadcast_in_dim3A_37 : f32 to vector<16xf32>
    %swap3A_39 = arith.constant 80 : index
    %swap3A_40 = tpu.vector_load %arg14[%swap3A_39] {strides = array<i32>} : memref<128xf32, #tpu.memory_space<vmem>>, vector<16xf32>,
    %swap3A_41 = vector.shape_cast %swap3A_40 : vector<16xf32> to vector<16xf32>
    %swap3A_42 = vector.shape_cast %broadcast_in_dim3A_38 : vector<16xf32> to vector<16xf32>
    tpu.vector_store %arg14[%swap3A_39], %swap3A_42 {strides = array<i32>} : memref<128xf32, #tpu.memory_space<vmem>>, vector<16xf32>,
    %broadcast_in_dim3A_43 = arith.constant 1.000000e+00 : f32
    %broadcast_in_dim3A_44 = vector.broadcast %broadcast_in_dim3A_43 : f32 to vector<16xf32>
    %swap3A_45 = arith.constant 96 : index
    %swap3A_46 = tpu.vector_load %arg14[%swap3A_45] {strides = array<i32>} : memref<128xf32, #tpu.memory_space<vmem>>, vector<16xf32>,
    %swap3A_47 = vector.shape_cast %swap3A_46 : vector<16xf32> to vector<16xf32>
    %swap3A_48 = vector.shape_cast %broadcast_in_dim3A_44 : vector<16xf32> to vector<16xf32>
    tpu.vector_store %arg14[%swap3A_45], %swap3A_48 {strides = array<i32>} : memref<128xf32, #tpu.memory_space<vmem>>, vector<16xf32>,
    %broadcast_in_dim3A_49 = arith.constant 1.000000e+00 : f32
    %broadcast_in_dim3A_50 = vector.broadcast %broadcast_in_dim3A_49 : f32 to vector<16xf32>
    %swap3A_51 = arith.constant 112 : index
    %swap3A_52 = tpu.vector_load %arg14[%swap3A_51] {strides = array<i32>} : memref<128xf32, #tpu.memory_space<vmem>>, vector<16xf32>,
    %swap3A_53 = vector.shape_cast %swap3A_52 : vector<16xf32> to vector<16xf32>
    %swap3A_54 = vector.shape_cast %broadcast_in_dim3A_50 : vector<16xf32> to vector<16xf32>
    tpu.vector_store %arg14[%swap3A_51], %swap3A_54 {strides = array<i32>} : memref<128xf32, #tpu.memory_space<vmem>>, vector<16xf32>,
    %mul3A_55 = arith.constant 632 : i32
    %mul3A_56 = arith.muli %arg1, %mul3A_55 : i32
    %multiple_of3A = tpu.assume_multiple %mul3A_56, 8 : i32
    %scan3A_57 = arith.constant 0 : i32
    %scan3A_58 = arith.constant 0 : i32
    %scan3A_59 = arith.constant 79 : i32
    %scan3A_60 = arith.addi %scan3A_58, %scan3A_59 : i32
    %scan3A_61 = arith.constant 1 : i32
    %scan3A_62 = scf.for %scan3A_235 = %scan3A_58 to %scan3A_60 step %scan3A_61 iter_args(%scan3A_236 = %scan3A_57) -> (i32)  : i32 {
      %mul3A_237 = arith.constant 8 : i32
      %mul3A_238 = arith.muli %scan3A_235, %mul3A_237 : i32
      %add3A_239 = arith.addi %multiple_of3A, %mul3A_238 : i32
      %multiple_of3A_240 = tpu.assume_multiple %add3A_239, 8 : i32
      "tpu.region"() ({
        %run_scoped3A = tpu.sem_alloc : memref<!tpu.dma_semaphore, #tpu.memory_space<semaphore_mem>>
        %dma_start3A_242 = arith.constant 0 : i32
        %dma_start3A_243 = tpu.memref_slice %arg17[%multiple_of3A_240, %dma_start3A_242] : memref<10112x128xf32, #tpu.memory_space<vmem_shared>> -> memref<8x128xf32, #tpu.memory_space<vmem_shared>>
        %dma_start3A_244 = arith.constant 0 : i32
        %dma_start3A_245 = tpu.memref_slice %arg17[%multiple_of3A_240, %dma_start3A_244] : memref<10112x128xf32, #tpu.memory_space<vmem_shared>> -> memref<8x128xf32, #tpu.memory_space<vmem_shared>>
        tpu.enqueue_dma source(%arg15 : memref<8x128xf32, #tpu.memory_space<vmem>>) target(%dma_start3A_245 : memref<8x128xf32, #tpu.memory_space<vmem_shared>>) target_semaphore(%run_scoped3A : memref<!tpu.dma_semaphore, #tpu.memory_space<semaphore_mem>>)
        %dma_wait3A_246 = arith.constant 0 : i32
        %dma_wait3A_247 = tpu.memref_slice %arg17[%multiple_of3A_240, %dma_wait3A_246] : memref<10112x128xf32, #tpu.memory_space<vmem_shared>> -> memref<8x128xf32, #tpu.memory_space<vmem_shared>>
        %dma_wait3A_248 = arith.constant 0 : i32
        %dma_wait3A_249 = tpu.memref_slice %arg17[%multiple_of3A_240, %dma_wait3A_248] : memref<10112x128xf32, #tpu.memory_space<vmem_shared>> -> memref<8x128xf32, #tpu.memory_space<vmem_shared>>
        tpu.wait_dma2 semaphore(%run_scoped3A : memref<!tpu.dma_semaphore, #tpu.memory_space<semaphore_mem>>) src(%arg15 : memref<8x128xf32, #tpu.memory_space<vmem>>) dst(%dma_wait3A_249 : memref<8x128xf32, #tpu.memory_space<vmem_shared>>)
        tpu.yield
      }) : () -> ()
      %scan3A_241 = arith.constant 0 : i32
      scf.yield %scan3A_241 : i32
    }
    %scan3A_63 = arith.constant 79 : i32
    %scan3A_64 = arith.constant 0 : i32
    %scan3A_65 = arith.constant 0 : i32
    %scan3A_66 = arith.constant 40 : i32
    %scan3A_67 = arith.addi %scan3A_65, %scan3A_66 : i32
    %scan3A_68 = arith.constant 1 : i32
    %scan3A_69 = scf.for %scan3A_235 = %scan3A_65 to %scan3A_67 step %scan3A_68 iter_args(%scan3A_236 = %scan3A_64) -> (i32)  : i32 {
      %mul3A_237 = arith.constant 16 : i32
      %mul3A_238 = arith.muli %scan3A_235, %mul3A_237 : i32
      %multiple_of3A_239 = tpu.assume_multiple %mul3A_238, 16 : i32
      %broadcast_in_dim3A_240 = arith.constant 0.000000e+00 : f32
      %broadcast_in_dim3A_241 = vector.broadcast %broadcast_in_dim3A_240 : f32 to vector<16xf32>
      %swap3A_242 = arith.index_cast %multiple_of3A_239 : i32 to index
      %swap3A_243 = tpu.vector_load %arg16[%swap3A_242] {strides = array<i32>} : memref<640xf32, #tpu.memory_space<vmem>>, vector<16xf32>,
      %swap3A_244 = vector.shape_cast %swap3A_243 : vector<16xf32> to vector<16xf32>
      %swap3A_245 = vector.shape_cast %broadcast_in_dim3A_241 : vector<16xf32> to vector<16xf32>
      tpu.vector_store %arg16[%swap3A_242], %swap3A_245 {strides = array<i32>} : memref<640xf32, #tpu.memory_space<vmem>>, vector<16xf32>,
      %scan3A_246 = arith.constant 0 : i32
      scf.yield %scan3A_246 : i32
    }
    %scan3A_70 = arith.constant 40 : i32
    %mul3A_71 = arith.constant 640 : i32
    %mul3A_72 = arith.muli %arg1, %mul3A_71 : i32
    %multiple_of3A_73 = tpu.assume_multiple %mul3A_72, 128 : i32
    "tpu.region"() ({
      %run_scoped3A = tpu.sem_alloc : memref<!tpu.dma_semaphore, #tpu.memory_space<semaphore_mem>>
      %dma_start3A_235 = tpu.memref_slice %arg18[%multiple_of3A_73] : memref<10240xf32, #tpu.memory_space<vmem_shared>> -> memref<640xf32, #tpu.memory_space<vmem_shared>>
      %dma_start3A_236 = tpu.memref_slice %arg18[%multiple_of3A_73] : memref<10240xf32, #tpu.memory_space<vmem_shared>> -> memref<640xf32, #tpu.memory_space<vmem_shared>>
      tpu.enqueue_dma source(%arg16 : memref<640xf32, #tpu.memory_space<vmem>>) target(%dma_start3A_236 : memref<640xf32, #tpu.memory_space<vmem_shared>>) target_semaphore(%run_scoped3A : memref<!tpu.dma_semaphore, #tpu.memory_space<semaphore_mem>>)
      %dma_wait3A_237 = tpu.memref_slice %arg18[%multiple_of3A_73] : memref<10240xf32, #tpu.memory_space<vmem_shared>> -> memref<640xf32, #tpu.memory_space<vmem_shared>>
      %dma_wait3A_238 = tpu.memref_slice %arg18[%multiple_of3A_73] : memref<10240xf32, #tpu.memory_space<vmem_shared>> -> memref<640xf32, #tpu.memory_space<vmem_shared>>
      tpu.wait_dma2 semaphore(%run_scoped3A : memref<!tpu.dma_semaphore, #tpu.memory_space<semaphore_mem>>) src(%arg16 : memref<640xf32, #tpu.memory_space<vmem>>) dst(%dma_wait3A_238 : memref<640xf32, #tpu.memory_space<vmem_shared>>)
      tpu.yield
    }) : () -> ()
    %barrier3A = arith.constant 0 : index
    tpu.barrier barrier_id(%barrier3A)
    %add3A_74 = arith.constant 0 : i32
    %add3A_75 = arith.addi %mul3A_2, %add3A_74 : i32
    "tpu.region"() ({
      %run_scoped3A = tpu.sem_alloc : memref<!tpu.dma_semaphore, #tpu.memory_space<semaphore_mem>>
      %dma_start3A_235 = tpu.memref_slice %arg2[%add3A_75] : memref<323584xi32, #tpu.memory_space<hbm>> -> memref<128xi32, #tpu.memory_space<hbm>>
      %dma_start3A_236 = tpu.memref_slice %arg2[%add3A_75] : memref<323584xi32, #tpu.memory_space<hbm>> -> memref<128xi32, #tpu.memory_space<hbm>>
      tpu.enqueue_dma source(%dma_start3A_236 : memref<128xi32, #tpu.memory_space<hbm>>) target(%arg6 : memref<128xi32, #tpu.memory_space<vmem>>) target_semaphore(%run_scoped3A : memref<!tpu.dma_semaphore, #tpu.memory_space<semaphore_mem>>)
      %dma_wait3A_237 = tpu.memref_slice %arg2[%add3A_75] : memref<323584xi32, #tpu.memory_space<hbm>> -> memref<128xi32, #tpu.memory_space<hbm>>
      %dma_wait3A_238 = tpu.memref_slice %arg2[%add3A_75] : memref<323584xi32, #tpu.memory_space<hbm>> -> memref<128xi32, #tpu.memory_space<hbm>>
      tpu.wait_dma2 semaphore(%run_scoped3A : memref<!tpu.dma_semaphore, #tpu.memory_space<semaphore_mem>>) src(%dma_wait3A_238 : memref<128xi32, #tpu.memory_space<hbm>>) dst(%arg6 : memref<128xi32, #tpu.memory_space<vmem>>)
      tpu.yield
    }) : () -> ()
    %get3A = arith.constant 0 : index
    %get3A_76 = tpu.vector_load %arg6[%get3A] {strides = array<i32>} : memref<128xi32, #tpu.memory_space<vmem>>, vector<16xi32>,
    %get3A_77 = vector.shape_cast %get3A_76 : vector<16xi32> to vector<16xi32>
    %shift_right_arithmetic3A = arith.constant 16 : i32
    %shift_right_arithmetic3A_78 = vector.broadcast %shift_right_arithmetic3A : i32 to vector<16xi32>
    %shift_right_arithmetic3A_79 = arith.shrsi %get3A_77, %shift_right_arithmetic3A_78 : vector<16xi32>
    %swap3A_80 = arith.constant 0 : index
    %swap3A_81 = tpu.vector_load %arg8[%swap3A_80] {strides = array<i32>} : memref<128xi32, #tpu.memory_space<vmem>>, vector<16xi32>,
    %swap3A_82 = vector.shape_cast %swap3A_81 : vector<16xi32> to vector<16xi32>
    %swap3A_83 = vector.shape_cast %shift_right_arithmetic3A_79 : vector<16xi32> to vector<16xi32>
    tpu.vector_store %arg8[%swap3A_80], %swap3A_83 {strides = array<i32>} : memref<128xi32, #tpu.memory_space<vmem>>, vector<16xi32>,
    %and3A = arith.constant 65535 : i32
    %and3A_84 = vector.broadcast %and3A : i32 to vector<16xi32>
    %and3A_85 = arith.andi %get3A_77, %and3A_84 : vector<16xi32>
    %swap3A_86 = arith.constant 0 : index
    %swap3A_87 = tpu.vector_load %arg10[%swap3A_86] {strides = array<i32>} : memref<128xi32, #tpu.memory_space<vmem>>, vector<16xi32>,
    %swap3A_88 = vector.shape_cast %swap3A_87 : vector<16xi32> to vector<16xi32>
    %swap3A_89 = vector.shape_cast %and3A_85 : vector<16xi32> to vector<16xi32>
    tpu.vector_store %arg10[%swap3A_86], %swap3A_89 {strides = array<i32>} : memref<128xi32, #tpu.memory_space<vmem>>, vector<16xi32>,
    %get3A_90 = arith.constant 16 : index
    %get3A_91 = tpu.vector_load %arg6[%get3A_90] {strides = array<i32>} : memref<128xi32, #tpu.memory_space<vmem>>, vector<16xi32>,
    %get3A_92 = vector.shape_cast %get3A_91 : vector<16xi32> to vector<16xi32>
    %shift_right_arithmetic3A_93 = arith.constant 16 : i32
    %shift_right_arithmetic3A_94 = vector.broadcast %shift_right_arithmetic3A_93 : i32 to vector<16xi32>
    %shift_right_arithmetic3A_95 = arith.shrsi %get3A_92, %shift_right_arithmetic3A_94 : vector<16xi32>
    %swap3A_96 = arith.constant 16 : index
    %swap3A_97 = tpu.vector_load %arg8[%swap3A_96] {strides = array<i32>} : memref<128xi32, #tpu.memory_space<vmem>>, vector<16xi32>,
    %swap3A_98 = vector.shape_cast %swap3A_97 : vector<16xi32> to vector<16xi32>
    %swap3A_99 = vector.shape_cast %shift_right_arithmetic3A_95 : vector<16xi32> to vector<16xi32>
    tpu.vector_store %arg8[%swap3A_96], %swap3A_99 {strides = array<i32>} : memref<128xi32, #tpu.memory_space<vmem>>, vector<16xi32>,
    %and3A_100 = arith.constant 65535 : i32
    %and3A_101 = vector.broadcast %and3A_100 : i32 to vector<16xi32>
    %and3A_102 = arith.andi %get3A_92, %and3A_101 : vector<16xi32>
    %swap3A_103 = arith.constant 16 : index
    %swap3A_104 = tpu.vector_load %arg10[%swap3A_103] {strides = array<i32>} : memref<128xi32, #tpu.memory_space<vmem>>, vector<16xi32>,
    %swap3A_105 = vector.shape_cast %swap3A_104 : vector<16xi32> to vector<16xi32>
    %swap3A_106 = vector.shape_cast %and3A_102 : vector<16xi32> to vector<16xi32>
    tpu.vector_store %arg10[%swap3A_103], %swap3A_106 {strides = array<i32>} : memref<128xi32, #tpu.memory_space<vmem>>, vector<16xi32>,
    %get3A_107 = arith.constant 32 : index
    %get3A_108 = tpu.vector_load %arg6[%get3A_107] {strides = array<i32>} : memref<128xi32, #tpu.memory_space<vmem>>, vector<16xi32>,
    %get3A_109 = vector.shape_cast %get3A_108 : vector<16xi32> to vector<16xi32>
    %shift_right_arithmetic3A_110 = arith.constant 16 : i32
    %shift_right_arithmetic3A_111 = vector.broadcast %shift_right_arithmetic3A_110 : i32 to vector<16xi32>
    %shift_right_arithmetic3A_112 = arith.shrsi %get3A_109, %shift_right_arithmetic3A_111 : vector<16xi32>
    %swap3A_113 = arith.constant 32 : index
    %swap3A_114 = tpu.vector_load %arg8[%swap3A_113] {strides = array<i32>} : memref<128xi32, #tpu.memory_space<vmem>>, vector<16xi32>,
    %swap3A_115 = vector.shape_cast %swap3A_114 : vector<16xi32> to vector<16xi32>
    %swap3A_116 = vector.shape_cast %shift_right_arithmetic3A_112 : vector<16xi32> to vector<16xi32>
    tpu.vector_store %arg8[%swap3A_113], %swap3A_116 {strides = array<i32>} : memref<128xi32, #tpu.memory_space<vmem>>, vector<16xi32>,
    %and3A_117 = arith.constant 65535 : i32
    %and3A_118 = vector.broadcast %and3A_117 : i32 to vector<16xi32>
    %and3A_119 = arith.andi %get3A_109, %and3A_118 : vector<16xi32>
    %swap3A_120 = arith.constant 32 : index
    %swap3A_121 = tpu.vector_load %arg10[%swap3A_120] {strides = array<i32>} : memref<128xi32, #tpu.memory_space<vmem>>, vector<16xi32>,
    %swap3A_122 = vector.shape_cast %swap3A_121 : vector<16xi32> to vector<16xi32>
    %swap3A_123 = vector.shape_cast %and3A_119 : vector<16xi32> to vector<16xi32>
    tpu.vector_store %arg10[%swap3A_120], %swap3A_123 {strides = array<i32>} : memref<128xi32, #tpu.memory_space<vmem>>, vector<16xi32>,
    %get3A_124 = arith.constant 48 : index
    %get3A_125 = tpu.vector_load %arg6[%get3A_124] {strides = array<i32>} : memref<128xi32, #tpu.memory_space<vmem>>, vector<16xi32>,
    %get3A_126 = vector.shape_cast %get3A_125 : vector<16xi32> to vector<16xi32>
    %shift_right_arithmetic3A_127 = arith.constant 16 : i32
    %shift_right_arithmetic3A_128 = vector.broadcast %shift_right_arithmetic3A_127 : i32 to vector<16xi32>
    %shift_right_arithmetic3A_129 = arith.shrsi %get3A_126, %shift_right_arithmetic3A_128 : vector<16xi32>
    %swap3A_130 = arith.constant 48 : index
    %swap3A_131 = tpu.vector_load %arg8[%swap3A_130] {strides = array<i32>} : memref<128xi32, #tpu.memory_space<vmem>>, vector<16xi32>,
    %swap3A_132 = vector.shape_cast %swap3A_131 : vector<16xi32> to vector<16xi32>
    %swap3A_133 = vector.shape_cast %shift_right_arithmetic3A_129 : vector<16xi32> to vector<16xi32>
    tpu.vector_store %arg8[%swap3A_130], %swap3A_133 {strides = array<i32>} : memref<128xi32, #tpu.memory_space<vmem>>, vector<16xi32>,
    %and3A_134 = arith.constant 65535 : i32
    %and3A_135 = vector.broadcast %and3A_134 : i32 to vector<16xi32>
    %and3A_136 = arith.andi %get3A_126, %and3A_135 : vector<16xi32>
    %swap3A_137 = arith.constant 48 : index
    %swap3A_138 = tpu.vector_load %arg10[%swap3A_137] {strides = array<i32>} : memref<128xi32, #tpu.memory_space<vmem>>, vector<16xi32>,
    %swap3A_139 = vector.shape_cast %swap3A_138 : vector<16xi32> to vector<16xi32>
    %swap3A_140 = vector.shape_cast %and3A_136 : vector<16xi32> to vector<16xi32>
    tpu.vector_store %arg10[%swap3A_137], %swap3A_140 {strides = array<i32>} : memref<128xi32, #tpu.memory_space<vmem>>, vector<16xi32>,
    %get3A_141 = arith.constant 64 : index
    %get3A_142 = tpu.vector_load %arg6[%get3A_141] {strides = array<i32>} : memref<128xi32, #tpu.memory_space<vmem>>, vector<16xi32>,
    %get3A_143 = vector.shape_cast %get3A_142 : vector<16xi32> to vector<16xi32>
    %shift_right_arithmetic3A_144 = arith.constant 16 : i32
    %shift_right_arithmetic3A_145 = vector.broadcast %shift_right_arithmetic3A_144 : i32 to vector<16xi32>
    %shift_right_arithmetic3A_146 = arith.shrsi %get3A_143, %shift_right_arithmetic3A_145 : vector<16xi32>
    %swap3A_147 = arith.constant 64 : index
    %swap3A_148 = tpu.vector_load %arg8[%swap3A_147] {strides = array<i32>} : memref<128xi32, #tpu.memory_space<vmem>>, vector<16xi32>,
    %swap3A_149 = vector.shape_cast %swap3A_148 : vector<16xi32> to vector<16xi32>
    %swap3A_150 = vector.shape_cast %shift_right_arithmetic3A_146 : vector<16xi32> to vector<16xi32>
    tpu.vector_store %arg8[%swap3A_147], %swap3A_150 {strides = array<i32>} : memref<128xi32, #tpu.memory_space<vmem>>, vector<16xi32>,
    %and3A_151 = arith.constant 65535 : i32
    %and3A_152 = vector.broadcast %and3A_151 : i32 to vector<16xi32>
    %and3A_153 = arith.andi %get3A_143, %and3A_152 : vector<16xi32>
    %swap3A_154 = arith.constant 64 : index
    %swap3A_155 = tpu.vector_load %arg10[%swap3A_154] {strides = array<i32>} : memref<128xi32, #tpu.memory_space<vmem>>, vector<16xi32>,
    %swap3A_156 = vector.shape_cast %swap3A_155 : vector<16xi32> to vector<16xi32>
    %swap3A_157 = vector.shape_cast %and3A_153 : vector<16xi32> to vector<16xi32>
    tpu.vector_store %arg10[%swap3A_154], %swap3A_157 {strides = array<i32>} : memref<128xi32, #tpu.memory_space<vmem>>, vector<16xi32>,
    %get3A_158 = arith.constant 80 : index
    %get3A_159 = tpu.vector_load %arg6[%get3A_158] {strides = array<i32>} : memref<128xi32, #tpu.memory_space<vmem>>, vector<16xi32>,
    %get3A_160 = vector.shape_cast %get3A_159 : vector<16xi32> to vector<16xi32>
    %shift_right_arithmetic3A_161 = arith.constant 16 : i32
    %shift_right_arithmetic3A_162 = vector.broadcast %shift_right_arithmetic3A_161 : i32 to vector<16xi32>
    %shift_right_arithmetic3A_163 = arith.shrsi %get3A_160, %shift_right_arithmetic3A_162 : vector<16xi32>
    %swap3A_164 = arith.constant 80 : index
    %swap3A_165 = tpu.vector_load %arg8[%swap3A_164] {strides = array<i32>} : memref<128xi32, #tpu.memory_space<vmem>>, vector<16xi32>,
    %swap3A_166 = vector.shape_cast %swap3A_165 : vector<16xi32> to vector<16xi32>
    %swap3A_167 = vector.shape_cast %shift_right_arithmetic3A_163 : vector<16xi32> to vector<16xi32>
    tpu.vector_store %arg8[%swap3A_164], %swap3A_167 {strides = array<i32>} : memref<128xi32, #tpu.memory_space<vmem>>, vector<16xi32>,
    %and3A_168 = arith.constant 65535 : i32
    %and3A_169 = vector.broadcast %and3A_168 : i32 to vector<16xi32>
    %and3A_170 = arith.andi %get3A_160, %and3A_169 : vector<16xi32>
    %swap3A_171 = arith.constant 80 : index
    %swap3A_172 = tpu.vector_load %arg10[%swap3A_171] {strides = array<i32>} : memref<128xi32, #tpu.memory_space<vmem>>, vector<16xi32>,
    %swap3A_173 = vector.shape_cast %swap3A_172 : vector<16xi32> to vector<16xi32>
    %swap3A_174 = vector.shape_cast %and3A_170 : vector<16xi32> to vector<16xi32>
    tpu.vector_store %arg10[%swap3A_171], %swap3A_174 {strides = array<i32>} : memref<128xi32, #tpu.memory_space<vmem>>, vector<16xi32>,
    %get3A_175 = arith.constant 96 : index
    %get3A_176 = tpu.vector_load %arg6[%get3A_175] {strides = array<i32>} : memref<128xi32, #tpu.memory_space<vmem>>, vector<16xi32>,
    %get3A_177 = vector.shape_cast %get3A_176 : vector<16xi32> to vector<16xi32>
    %shift_right_arithmetic3A_178 = arith.constant 16 : i32
    %shift_right_arithmetic3A_179 = vector.broadcast %shift_right_arithmetic3A_178 : i32 to vector<16xi32>
    %shift_right_arithmetic3A_180 = arith.shrsi %get3A_177, %shift_right_arithmetic3A_179 : vector<16xi32>
    %swap3A_181 = arith.constant 96 : index
    %swap3A_182 = tpu.vector_load %arg8[%swap3A_181] {strides = array<i32>} : memref<128xi32, #tpu.memory_space<vmem>>, vector<16xi32>,
    %swap3A_183 = vector.shape_cast %swap3A_182 : vector<16xi32> to vector<16xi32>
    %swap3A_184 = vector.shape_cast %shift_right_arithmetic3A_180 : vector<16xi32> to vector<16xi32>
    tpu.vector_store %arg8[%swap3A_181], %swap3A_184 {strides = array<i32>} : memref<128xi32, #tpu.memory_space<vmem>>, vector<16xi32>,
    %and3A_185 = arith.constant 65535 : i32
    %and3A_186 = vector.broadcast %and3A_185 : i32 to vector<16xi32>
    %and3A_187 = arith.andi %get3A_177, %and3A_186 : vector<16xi32>
    %swap3A_188 = arith.constant 96 : index
    %swap3A_189 = tpu.vector_load %arg10[%swap3A_188] {strides = array<i32>} : memref<128xi32, #tpu.memory_space<vmem>>, vector<16xi32>,
    %swap3A_190 = vector.shape_cast %swap3A_189 : vector<16xi32> to vector<16xi32>
    %swap3A_191 = vector.shape_cast %and3A_187 : vector<16xi32> to vector<16xi32>
    tpu.vector_store %arg10[%swap3A_188], %swap3A_191 {strides = array<i32>} : memref<128xi32, #tpu.memory_space<vmem>>, vector<16xi32>,
    %get3A_192 = arith.constant 112 : index
    %get3A_193 = tpu.vector_load %arg6[%get3A_192] {strides = array<i32>} : memref<128xi32, #tpu.memory_space<vmem>>, vector<16xi32>,
    %get3A_194 = vector.shape_cast %get3A_193 : vector<16xi32> to vector<16xi32>
    %shift_right_arithmetic3A_195 = arith.constant 16 : i32
    %shift_right_arithmetic3A_196 = vector.broadcast %shift_right_arithmetic3A_195 : i32 to vector<16xi32>
    %shift_right_arithmetic3A_197 = arith.shrsi %get3A_194, %shift_right_arithmetic3A_196 : vector<16xi32>
    %swap3A_198 = arith.constant 112 : index
    %swap3A_199 = tpu.vector_load %arg8[%swap3A_198] {strides = array<i32>} : memref<128xi32, #tpu.memory_space<vmem>>, vector<16xi32>,
    %swap3A_200 = vector.shape_cast %swap3A_199 : vector<16xi32> to vector<16xi32>
    %swap3A_201 = vector.shape_cast %shift_right_arithmetic3A_197 : vector<16xi32> to vector<16xi32>
    tpu.vector_store %arg8[%swap3A_198], %swap3A_201 {strides = array<i32>} : memref<128xi32, #tpu.memory_space<vmem>>, vector<16xi32>,
    %and3A_202 = arith.constant 65535 : i32
    %and3A_203 = vector.broadcast %and3A_202 : i32 to vector<16xi32>
    %and3A_204 = arith.andi %get3A_194, %and3A_203 : vector<16xi32>
    %swap3A_205 = arith.constant 112 : index
    %swap3A_206 = tpu.vector_load %arg10[%swap3A_205] {strides = array<i32>} : memref<128xi32, #tpu.memory_space<vmem>>, vector<16xi32>,
    %swap3A_207 = vector.shape_cast %swap3A_206 : vector<16xi32> to vector<16xi32>
    %swap3A_208 = vector.shape_cast %and3A_204 : vector<16xi32> to vector<16xi32>
    tpu.vector_store %arg10[%swap3A_205], %swap3A_208 {strides = array<i32>} : memref<128xi32, #tpu.memory_space<vmem>>, vector<16xi32>,
    %dma_start3A = arith.constant 0 : i32
    %dma_start3A_209 = arith.constant 0 : i32
    %dma_start3A_210 = tpu.memref_slice %arg3[%dma_start3A, %dma_start3A_209] : memref<10000x128xf32, #tpu.memory_space<hbm>> -> memref<10000x128xf32, #tpu.memory_space<hbm>>
    tpu.enqueue_indirect_dma source(%dma_start3A_210 : memref<10000x128xf32, #tpu.memory_space<hbm>>) target(%arg12 : memref<128x128xf32, #tpu.memory_space<vmem>>) offsets(%arg8 : memref<128xi32, #tpu.memory_space<vmem>>) semaphore(%arg19 : memref<!tpu.dma_semaphore, #tpu.memory_space<semaphore_mem>>)
    %scan3A_211 = arith.constant 0 : i32
    %scan3A_212 = arith.constant 0 : i32
    %scan3A_213 = arith.constant 39 : i32
    %scan3A_214 = arith.addi %scan3A_212, %scan3A_213 : i32
    %scan3A_215 = arith.constant 1 : i32
    %scan3A_216 = scf.for %scan3A_235 = %scan3A_212 to %scan3A_214 step %scan3A_215 iter_args(%scan3A_236 = %scan3A_211) -> (i32)  : i32 {
      %mul3A_237 = arith.constant 2 : i32
      %mul3A_238 = arith.muli %scan3A_235, %mul3A_237 : i32
      %add3A_239 = arith.constant 0 : i32
      %add3A_240 = arith.addi %mul3A_238, %add3A_239 : i32
      %add3A_241 = arith.constant 1 : i32
      %add3A_242 = arith.addi %add3A_240, %add3A_241 : i32
      %mul3A_243 = arith.constant 128 : i32
      %mul3A_244 = arith.muli %add3A_242, %mul3A_243 : i32
      %add3A_245 = arith.addi %mul3A_2, %mul3A_244 : i32
      "tpu.region"() ({
        %run_scoped3A = tpu.sem_alloc : memref<!tpu.dma_semaphore, #tpu.memory_space<semaphore_mem>>
        %dma_start3A_540 = tpu.memref_slice %arg2[%add3A_245] : memref<323584xi32, #tpu.memory_space<hbm>> -> memref<128xi32, #tpu.memory_space<hbm>>
        %dma_start3A_541 = tpu.memref_slice %arg2[%add3A_245] : memref<323584xi32, #tpu.memory_space<hbm>> -> memref<128xi32, #tpu.memory_space<hbm>>
        tpu.enqueue_dma source(%dma_start3A_541 : memref<128xi32, #tpu.memory_space<hbm>>) target(%arg7 : memref<128xi32, #tpu.memory_space<vmem>>) target_semaphore(%run_scoped3A : memref<!tpu.dma_semaphore, #tpu.memory_space<semaphore_mem>>)
        %dma_wait3A_542 = tpu.memref_slice %arg2[%add3A_245] : memref<323584xi32, #tpu.memory_space<hbm>> -> memref<128xi32, #tpu.memory_space<hbm>>
        %dma_wait3A_543 = tpu.memref_slice %arg2[%add3A_245] : memref<323584xi32, #tpu.memory_space<hbm>> -> memref<128xi32, #tpu.memory_space<hbm>>
        tpu.wait_dma2 semaphore(%run_scoped3A : memref<!tpu.dma_semaphore, #tpu.memory_space<semaphore_mem>>) src(%dma_wait3A_543 : memref<128xi32, #tpu.memory_space<hbm>>) dst(%arg7 : memref<128xi32, #tpu.memory_space<vmem>>)
        tpu.yield
      }) : () -> ()
      %get3A_246 = arith.constant 0 : index
      %get3A_247 = tpu.vector_load %arg7[%get3A_246] {strides = array<i32>} : memref<128xi32, #tpu.memory_space<vmem>>, vector<16xi32>,
      %get3A_248 = vector.shape_cast %get3A_247 : vector<16xi32> to vector<16xi32>
      %shift_right_arithmetic3A_249 = arith.constant 16 : i32
      %shift_right_arithmetic3A_250 = vector.broadcast %shift_right_arithmetic3A_249 : i32 to vector<16xi32>
      %shift_right_arithmetic3A_251 = arith.shrsi %get3A_248, %shift_right_arithmetic3A_250 : vector<16xi32>
      %swap3A_252 = arith.constant 0 : index
      %swap3A_253 = tpu.vector_load %arg9[%swap3A_252] {strides = array<i32>} : memref<128xi32, #tpu.memory_space<vmem>>, vector<16xi32>,
      %swap3A_254 = vector.shape_cast %swap3A_253 : vector<16xi32> to vector<16xi32>
      %swap3A_255 = vector.shape_cast %shift_right_arithmetic3A_251 : vector<16xi32> to vector<16xi32>
      tpu.vector_store %arg9[%swap3A_252], %swap3A_255 {strides = array<i32>} : memref<128xi32, #tpu.memory_space<vmem>>, vector<16xi32>,
      %and3A_256 = arith.constant 65535 : i32
      %and3A_257 = vector.broadcast %and3A_256 : i32 to vector<16xi32>
      %and3A_258 = arith.andi %get3A_248, %and3A_257 : vector<16xi32>
      %swap3A_259 = arith.constant 0 : index
      %swap3A_260 = tpu.vector_load %arg11[%swap3A_259] {strides = array<i32>} : memref<128xi32, #tpu.memory_space<vmem>>, vector<16xi32>,
      %swap3A_261 = vector.shape_cast %swap3A_260 : vector<16xi32> to vector<16xi32>
      %swap3A_262 = vector.shape_cast %and3A_258 : vector<16xi32> to vector<16xi32>
      tpu.vector_store %arg11[%swap3A_259], %swap3A_262 {strides = array<i32>} : memref<128xi32, #tpu.memory_space<vmem>>, vector<16xi32>,
      %get3A_263 = arith.constant 16 : index
      %get3A_264 = tpu.vector_load %arg7[%get3A_263] {strides = array<i32>} : memref<128xi32, #tpu.memory_space<vmem>>, vector<16xi32>,
      %get3A_265 = vector.shape_cast %get3A_264 : vector<16xi32> to vector<16xi32>
      %shift_right_arithmetic3A_266 = arith.constant 16 : i32
      %shift_right_arithmetic3A_267 = vector.broadcast %shift_right_arithmetic3A_266 : i32 to vector<16xi32>
      %shift_right_arithmetic3A_268 = arith.shrsi %get3A_265, %shift_right_arithmetic3A_267 : vector<16xi32>
      %swap3A_269 = arith.constant 16 : index
      %swap3A_270 = tpu.vector_load %arg9[%swap3A_269] {strides = array<i32>} : memref<128xi32, #tpu.memory_space<vmem>>, vector<16xi32>,
      %swap3A_271 = vector.shape_cast %swap3A_270 : vector<16xi32> to vector<16xi32>
      %swap3A_272 = vector.shape_cast %shift_right_arithmetic3A_268 : vector<16xi32> to vector<16xi32>
      tpu.vector_store %arg9[%swap3A_269], %swap3A_272 {strides = array<i32>} : memref<128xi32, #tpu.memory_space<vmem>>, vector<16xi32>,
      %and3A_273 = arith.constant 65535 : i32
      %and3A_274 = vector.broadcast %and3A_273 : i32 to vector<16xi32>
      %and3A_275 = arith.andi %get3A_265, %and3A_274 : vector<16xi32>
      %swap3A_276 = arith.constant 16 : index
      %swap3A_277 = tpu.vector_load %arg11[%swap3A_276] {strides = array<i32>} : memref<128xi32, #tpu.memory_space<vmem>>, vector<16xi32>,
      %swap3A_278 = vector.shape_cast %swap3A_277 : vector<16xi32> to vector<16xi32>
      %swap3A_279 = vector.shape_cast %and3A_275 : vector<16xi32> to vector<16xi32>
      tpu.vector_store %arg11[%swap3A_276], %swap3A_279 {strides = array<i32>} : memref<128xi32, #tpu.memory_space<vmem>>, vector<16xi32>,
      %get3A_280 = arith.constant 32 : index
      %get3A_281 = tpu.vector_load %arg7[%get3A_280] {strides = array<i32>} : memref<128xi32, #tpu.memory_space<vmem>>, vector<16xi32>,
      %get3A_282 = vector.shape_cast %get3A_281 : vector<16xi32> to vector<16xi32>
      %shift_right_arithmetic3A_283 = arith.constant 16 : i32
      %shift_right_arithmetic3A_284 = vector.broadcast %shift_right_arithmetic3A_283 : i32 to vector<16xi32>
      %shift_right_arithmetic3A_285 = arith.shrsi %get3A_282, %shift_right_arithmetic3A_284 : vector<16xi32>
      %swap3A_286 = arith.constant 32 : index
      %swap3A_287 = tpu.vector_load %arg9[%swap3A_286] {strides = array<i32>} : memref<128xi32, #tpu.memory_space<vmem>>, vector<16xi32>,
      %swap3A_288 = vector.shape_cast %swap3A_287 : vector<16xi32> to vector<16xi32>
      %swap3A_289 = vector.shape_cast %shift_right_arithmetic3A_285 : vector<16xi32> to vector<16xi32>
      tpu.vector_store %arg9[%swap3A_286], %swap3A_289 {strides = array<i32>} : memref<128xi32, #tpu.memory_space<vmem>>, vector<16xi32>,
      %and3A_290 = arith.constant 65535 : i32
      %and3A_291 = vector.broadcast %and3A_290 : i32 to vector<16xi32>
      %and3A_292 = arith.andi %get3A_282, %and3A_291 : vector<16xi32>
      %swap3A_293 = arith.constant 32 : index
      %swap3A_294 = tpu.vector_load %arg11[%swap3A_293] {strides = array<i32>} : memref<128xi32, #tpu.memory_space<vmem>>, vector<16xi32>,
      %swap3A_295 = vector.shape_cast %swap3A_294 : vector<16xi32> to vector<16xi32>
      %swap3A_296 = vector.shape_cast %and3A_292 : vector<16xi32> to vector<16xi32>
      tpu.vector_store %arg11[%swap3A_293], %swap3A_296 {strides = array<i32>} : memref<128xi32, #tpu.memory_space<vmem>>, vector<16xi32>,
      %get3A_297 = arith.constant 48 : index
      %get3A_298 = tpu.vector_load %arg7[%get3A_297] {strides = array<i32>} : memref<128xi32, #tpu.memory_space<vmem>>, vector<16xi32>,
      %get3A_299 = vector.shape_cast %get3A_298 : vector<16xi32> to vector<16xi32>
      %shift_right_arithmetic3A_300 = arith.constant 16 : i32
      %shift_right_arithmetic3A_301 = vector.broadcast %shift_right_arithmetic3A_300 : i32 to vector<16xi32>
      %shift_right_arithmetic3A_302 = arith.shrsi %get3A_299, %shift_right_arithmetic3A_301 : vector<16xi32>
      %swap3A_303 = arith.constant 48 : index
      %swap3A_304 = tpu.vector_load %arg9[%swap3A_303] {strides = array<i32>} : memref<128xi32, #tpu.memory_space<vmem>>, vector<16xi32>,
      %swap3A_305 = vector.shape_cast %swap3A_304 : vector<16xi32> to vector<16xi32>
      %swap3A_306 = vector.shape_cast %shift_right_arithmetic3A_302 : vector<16xi32> to vector<16xi32>
      tpu.vector_store %arg9[%swap3A_303], %swap3A_306 {strides = array<i32>} : memref<128xi32, #tpu.memory_space<vmem>>, vector<16xi32>,
      %and3A_307 = arith.constant 65535 : i32
      %and3A_308 = vector.broadcast %and3A_307 : i32 to vector<16xi32>
      %and3A_309 = arith.andi %get3A_299, %and3A_308 : vector<16xi32>
      %swap3A_310 = arith.constant 48 : index
      %swap3A_311 = tpu.vector_load %arg11[%swap3A_310] {strides = array<i32>} : memref<128xi32, #tpu.memory_space<vmem>>, vector<16xi32>,
      %swap3A_312 = vector.shape_cast %swap3A_311 : vector<16xi32> to vector<16xi32>
      %swap3A_313 = vector.shape_cast %and3A_309 : vector<16xi32> to vector<16xi32>
      tpu.vector_store %arg11[%swap3A_310], %swap3A_313 {strides = array<i32>} : memref<128xi32, #tpu.memory_space<vmem>>, vector<16xi32>,
      %get3A_314 = arith.constant 64 : index
      %get3A_315 = tpu.vector_load %arg7[%get3A_314] {strides = array<i32>} : memref<128xi32, #tpu.memory_space<vmem>>, vector<16xi32>,
      %get3A_316 = vector.shape_cast %get3A_315 : vector<16xi32> to vector<16xi32>
      %shift_right_arithmetic3A_317 = arith.constant 16 : i32
      %shift_right_arithmetic3A_318 = vector.broadcast %shift_right_arithmetic3A_317 : i32 to vector<16xi32>
      %shift_right_arithmetic3A_319 = arith.shrsi %get3A_316, %shift_right_arithmetic3A_318 : vector<16xi32>
      %swap3A_320 = arith.constant 64 : index
      %swap3A_321 = tpu.vector_load %arg9[%swap3A_320] {strides = array<i32>} : memref<128xi32, #tpu.memory_space<vmem>>, vector<16xi32>,
      %swap3A_322 = vector.shape_cast %swap3A_321 : vector<16xi32> to vector<16xi32>
      %swap3A_323 = vector.shape_cast %shift_right_arithmetic3A_319 : vector<16xi32> to vector<16xi32>
      tpu.vector_store %arg9[%swap3A_320], %swap3A_323 {strides = array<i32>} : memref<128xi32, #tpu.memory_space<vmem>>, vector<16xi32>,
      %and3A_324 = arith.constant 65535 : i32
      %and3A_325 = vector.broadcast %and3A_324 : i32 to vector<16xi32>
      %and3A_326 = arith.andi %get3A_316, %and3A_325 : vector<16xi32>
      %swap3A_327 = arith.constant 64 : index
      %swap3A_328 = tpu.vector_load %arg11[%swap3A_327] {strides = array<i32>} : memref<128xi32, #tpu.memory_space<vmem>>, vector<16xi32>,
      %swap3A_329 = vector.shape_cast %swap3A_328 : vector<16xi32> to vector<16xi32>
      %swap3A_330 = vector.shape_cast %and3A_326 : vector<16xi32> to vector<16xi32>
      tpu.vector_store %arg11[%swap3A_327], %swap3A_330 {strides = array<i32>} : memref<128xi32, #tpu.memory_space<vmem>>, vector<16xi32>,
      %get3A_331 = arith.constant 80 : index
      %get3A_332 = tpu.vector_load %arg7[%get3A_331] {strides = array<i32>} : memref<128xi32, #tpu.memory_space<vmem>>, vector<16xi32>,
      %get3A_333 = vector.shape_cast %get3A_332 : vector<16xi32> to vector<16xi32>
      %shift_right_arithmetic3A_334 = arith.constant 16 : i32
      %shift_right_arithmetic3A_335 = vector.broadcast %shift_right_arithmetic3A_334 : i32 to vector<16xi32>
      %shift_right_arithmetic3A_336 = arith.shrsi %get3A_333, %shift_right_arithmetic3A_335 : vector<16xi32>
      %swap3A_337 = arith.constant 80 : index
      %swap3A_338 = tpu.vector_load %arg9[%swap3A_337] {strides = array<i32>} : memref<128xi32, #tpu.memory_space<vmem>>, vector<16xi32>,
      %swap3A_339 = vector.shape_cast %swap3A_338 : vector<16xi32> to vector<16xi32>
      %swap3A_340 = vector.shape_cast %shift_right_arithmetic3A_336 : vector<16xi32> to vector<16xi32>
      tpu.vector_store %arg9[%swap3A_337], %swap3A_340 {strides = array<i32>} : memref<128xi32, #tpu.memory_space<vmem>>, vector<16xi32>,
      %and3A_341 = arith.constant 65535 : i32
      %and3A_342 = vector.broadcast %and3A_341 : i32 to vector<16xi32>
      %and3A_343 = arith.andi %get3A_333, %and3A_342 : vector<16xi32>
      %swap3A_344 = arith.constant 80 : index
      %swap3A_345 = tpu.vector_load %arg11[%swap3A_344] {strides = array<i32>} : memref<128xi32, #tpu.memory_space<vmem>>, vector<16xi32>,
      %swap3A_346 = vector.shape_cast %swap3A_345 : vector<16xi32> to vector<16xi32>
      %swap3A_347 = vector.shape_cast %and3A_343 : vector<16xi32> to vector<16xi32>
      tpu.vector_store %arg11[%swap3A_344], %swap3A_347 {strides = array<i32>} : memref<128xi32, #tpu.memory_space<vmem>>, vector<16xi32>,
      %get3A_348 = arith.constant 96 : index
      %get3A_349 = tpu.vector_load %arg7[%get3A_348] {strides = array<i32>} : memref<128xi32, #tpu.memory_space<vmem>>, vector<16xi32>,
      %get3A_350 = vector.shape_cast %get3A_349 : vector<16xi32> to vector<16xi32>
      %shift_right_arithmetic3A_351 = arith.constant 16 : i32
      %shift_right_arithmetic3A_352 = vector.broadcast %shift_right_arithmetic3A_351 : i32 to vector<16xi32>
      %shift_right_arithmetic3A_353 = arith.shrsi %get3A_350, %shift_right_arithmetic3A_352 : vector<16xi32>
      %swap3A_354 = arith.constant 96 : index
      %swap3A_355 = tpu.vector_load %arg9[%swap3A_354] {strides = array<i32>} : memref<128xi32, #tpu.memory_space<vmem>>, vector<16xi32>,
      %swap3A_356 = vector.shape_cast %swap3A_355 : vector<16xi32> to vector<16xi32>
      %swap3A_357 = vector.shape_cast %shift_right_arithmetic3A_353 : vector<16xi32> to vector<16xi32>
      tpu.vector_store %arg9[%swap3A_354], %swap3A_357 {strides = array<i32>} : memref<128xi32, #tpu.memory_space<vmem>>, vector<16xi32>,
      %and3A_358 = arith.constant 65535 : i32
      %and3A_359 = vector.broadcast %and3A_358 : i32 to vector<16xi32>
      %and3A_360 = arith.andi %get3A_350, %and3A_359 : vector<16xi32>
      %swap3A_361 = arith.constant 96 : index
      %swap3A_362 = tpu.vector_load %arg11[%swap3A_361] {strides = array<i32>} : memref<128xi32, #tpu.memory_space<vmem>>, vector<16xi32>,
      %swap3A_363 = vector.shape_cast %swap3A_362 : vector<16xi32> to vector<16xi32>
      %swap3A_364 = vector.shape_cast %and3A_360 : vector<16xi32> to vector<16xi32>
      tpu.vector_store %arg11[%swap3A_361], %swap3A_364 {strides = array<i32>} : memref<128xi32, #tpu.memory_space<vmem>>, vector<16xi32>,
      %get3A_365 = arith.constant 112 : index
      %get3A_366 = tpu.vector_load %arg7[%get3A_365] {strides = array<i32>} : memref<128xi32, #tpu.memory_space<vmem>>, vector<16xi32>,
      %get3A_367 = vector.shape_cast %get3A_366 : vector<16xi32> to vector<16xi32>
      %shift_right_arithmetic3A_368 = arith.constant 16 : i32
      %shift_right_arithmetic3A_369 = vector.broadcast %shift_right_arithmetic3A_368 : i32 to vector<16xi32>
      %shift_right_arithmetic3A_370 = arith.shrsi %get3A_367, %shift_right_arithmetic3A_369 : vector<16xi32>
      %swap3A_371 = arith.constant 112 : index
      %swap3A_372 = tpu.vector_load %arg9[%swap3A_371] {strides = array<i32>} : memref<128xi32, #tpu.memory_space<vmem>>, vector<16xi32>,
      %swap3A_373 = vector.shape_cast %swap3A_372 : vector<16xi32> to vector<16xi32>
      %swap3A_374 = vector.shape_cast %shift_right_arithmetic3A_370 : vector<16xi32> to vector<16xi32>
      tpu.vector_store %arg9[%swap3A_371], %swap3A_374 {strides = array<i32>} : memref<128xi32, #tpu.memory_space<vmem>>, vector<16xi32>,
      %and3A_375 = arith.constant 65535 : i32
      %and3A_376 = vector.broadcast %and3A_375 : i32 to vector<16xi32>
      %and3A_377 = arith.andi %get3A_367, %and3A_376 : vector<16xi32>
      %swap3A_378 = arith.constant 112 : index
      %swap3A_379 = tpu.vector_load %arg11[%swap3A_378] {strides = array<i32>} : memref<128xi32, #tpu.memory_space<vmem>>, vector<16xi32>,
      %swap3A_380 = vector.shape_cast %swap3A_379 : vector<16xi32> to vector<16xi32>
      %swap3A_381 = vector.shape_cast %and3A_377 : vector<16xi32> to vector<16xi32>
      tpu.vector_store %arg11[%swap3A_378], %swap3A_381 {strides = array<i32>} : memref<128xi32, #tpu.memory_space<vmem>>, vector<16xi32>,
      %dma_start3A_382 = arith.constant 0 : i32
      %dma_start3A_383 = arith.constant 0 : i32
      %dma_start3A_384 = tpu.memref_slice %arg3[%dma_start3A_382, %dma_start3A_383] : memref<10000x128xf32, #tpu.memory_space<hbm>> -> memref<10000x128xf32, #tpu.memory_space<hbm>>
      tpu.enqueue_indirect_dma source(%dma_start3A_384 : memref<10000x128xf32, #tpu.memory_space<hbm>>) target(%arg13 : memref<128x128xf32, #tpu.memory_space<vmem>>) offsets(%arg9 : memref<128xi32, #tpu.memory_space<vmem>>) semaphore(%arg20 : memref<!tpu.dma_semaphore, #tpu.memory_space<semaphore_mem>>)
      %dma_wait3A_385 = arith.constant 0 : i32
      %dma_wait3A_386 = arith.constant 0 : i32
      %dma_wait3A_387 = tpu.memref_slice %arg3[%dma_wait3A_385, %dma_wait3A_386] : memref<10000x128xf32, #tpu.memory_space<hbm>> -> memref<10000x128xf32, #tpu.memory_space<hbm>>
      tpu.wait_indirect_dma semaphore(%arg19 : memref<!tpu.dma_semaphore, #tpu.memory_space<semaphore_mem>>) src(%dma_wait3A_387 : memref<10000x128xf32, #tpu.memory_space<hbm>>) dst(%arg12 : memref<128x128xf32, #tpu.memory_space<vmem>>)
      "tpu.region"() ({
        %run_scoped3A = tpu.sem_alloc : memref<!tpu.dma_semaphore, #tpu.memory_space<semaphore_mem>>
        %dma_start3A_540 = arith.constant 0 : i32
        %dma_start3A_541 = arith.constant 0 : i32
        %dma_start3A_542 = tpu.memref_slice %arg17[%dma_start3A_540, %dma_start3A_541] : memref<10112x128xf32, #tpu.memory_space<vmem_shared>> -> memref<10112x128xf32, #tpu.memory_space<vmem_shared>>
        tpu.enqueue_indirect_dma source(%arg12 : memref<128x128xf32, #tpu.memory_space<vmem>>) target(%dma_start3A_542 : memref<10112x128xf32, #tpu.memory_space<vmem_shared>>) offsets(%arg10 : memref<128xi32, #tpu.memory_space<vmem>>) semaphore(%run_scoped3A : memref<!tpu.dma_semaphore, #tpu.memory_space<semaphore_mem>>) {add = true}
        %dma_wait3A_543 = arith.constant 0 : i32
        %dma_wait3A_544 = arith.constant 0 : i32
        %dma_wait3A_545 = tpu.memref_slice %arg17[%dma_wait3A_543, %dma_wait3A_544] : memref<10112x128xf32, #tpu.memory_space<vmem_shared>> -> memref<10112x128xf32, #tpu.memory_space<vmem_shared>>
        tpu.wait_indirect_dma semaphore(%run_scoped3A : memref<!tpu.dma_semaphore, #tpu.memory_space<semaphore_mem>>) src(%arg12 : memref<128x128xf32, #tpu.memory_space<vmem>>) dst(%dma_wait3A_545 : memref<10112x128xf32, #tpu.memory_space<vmem_shared>>)
        tpu.yield
      }) : () -> ()
      "tpu.region"() ({
        %run_scoped3A = tpu.sem_alloc : memref<!tpu.dma_semaphore, #tpu.memory_space<semaphore_mem>>
        %dma_start3A_540 = arith.constant 0 : i32
        %dma_start3A_541 = tpu.memref_slice %arg18[%dma_start3A_540] : memref<10240xf32, #tpu.memory_space<vmem_shared>> -> memref<10240xf32, #tpu.memory_space<vmem_shared>>
        tpu.enqueue_indirect_dma source(%arg14 : memref<128xf32, #tpu.memory_space<vmem>>) target(%dma_start3A_541 : memref<10240xf32, #tpu.memory_space<vmem_shared>>) offsets(%arg10 : memref<128xi32, #tpu.memory_space<vmem>>) semaphore(%run_scoped3A : memref<!tpu.dma_semaphore, #tpu.memory_space<semaphore_mem>>) {add = true}
        %dma_wait3A_542 = arith.constant 0 : i32
        %dma_wait3A_543 = tpu.memref_slice %arg18[%dma_wait3A_542] : memref<10240xf32, #tpu.memory_space<vmem_shared>> -> memref<10240xf32, #tpu.memory_space<vmem_shared>>
        tpu.wait_indirect_dma semaphore(%run_scoped3A : memref<!tpu.dma_semaphore, #tpu.memory_space<semaphore_mem>>) src(%arg14 : memref<128xf32, #tpu.memory_space<vmem>>) dst(%dma_wait3A_543 : memref<10240xf32, #tpu.memory_space<vmem_shared>>)
        tpu.yield
      }) : () -> ()
      %mul3A_388 = arith.constant 2 : i32
      %mul3A_389 = arith.muli %scan3A_235, %mul3A_388 : i32
      %add3A_390 = arith.constant 1 : i32
      %add3A_391 = arith.addi %mul3A_389, %add3A_390 : i32
      %add3A_392 = arith.constant 1 : i32
      %add3A_393 = arith.addi %add3A_391, %add3A_392 : i32
      %mul3A_394 = arith.constant 128 : i32
      %mul3A_395 = arith.muli %add3A_393, %mul3A_394 : i32
      %add3A_396 = arith.addi %mul3A_2, %mul3A_395 : i32
      "tpu.region"() ({
        %run_scoped3A = tpu.sem_alloc : memref<!tpu.dma_semaphore, #tpu.memory_space<semaphore_mem>>
        %dma_start3A_540 = tpu.memref_slice %arg2[%add3A_396] : memref<323584xi32, #tpu.memory_space<hbm>> -> memref<128xi32, #tpu.memory_space<hbm>>
        %dma_start3A_541 = tpu.memref_slice %arg2[%add3A_396] : memref<323584xi32, #tpu.memory_space<hbm>> -> memref<128xi32, #tpu.memory_space<hbm>>
        tpu.enqueue_dma source(%dma_start3A_541 : memref<128xi32, #tpu.memory_space<hbm>>) target(%arg6 : memref<128xi32, #tpu.memory_space<vmem>>) target_semaphore(%run_scoped3A : memref<!tpu.dma_semaphore, #tpu.memory_space<semaphore_mem>>)
        %dma_wait3A_542 = tpu.memref_slice %arg2[%add3A_396] : memref<323584xi32, #tpu.memory_space<hbm>> -> memref<128xi32, #tpu.memory_space<hbm>>
        %dma_wait3A_543 = tpu.memref_slice %arg2[%add3A_396] : memref<323584xi32, #tpu.memory_space<hbm>> -> memref<128xi32, #tpu.memory_space<hbm>>
        tpu.wait_dma2 semaphore(%run_scoped3A : memref<!tpu.dma_semaphore, #tpu.memory_space<semaphore_mem>>) src(%dma_wait3A_543 : memref<128xi32, #tpu.memory_space<hbm>>) dst(%arg6 : memref<128xi32, #tpu.memory_space<vmem>>)
        tpu.yield
      }) : () -> ()
      %get3A_397 = arith.constant 0 : index
      %get3A_398 = tpu.vector_load %arg6[%get3A_397] {strides = array<i32>} : memref<128xi32, #tpu.memory_space<vmem>>, vector<16xi32>,
      %get3A_399 = vector.shape_cast %get3A_398 : vector<16xi32> to vector<16xi32>
      %shift_right_arithmetic3A_400 = arith.constant 16 : i32
      %shift_right_arithmetic3A_401 = vector.broadcast %shift_right_arithmetic3A_400 : i32 to vector<16xi32>
      %shift_right_arithmetic3A_402 = arith.shrsi %get3A_399, %shift_right_arithmetic3A_401 : vector<16xi32>
      %swap3A_403 = arith.constant 0 : index
      %swap3A_404 = tpu.vector_load %arg8[%swap3A_403] {strides = array<i32>} : memref<128xi32, #tpu.memory_space<vmem>>, vector<16xi32>,
      %swap3A_405 = vector.shape_cast %swap3A_404 : vector<16xi32> to vector<16xi32>
      %swap3A_406 = vector.shape_cast %shift_right_arithmetic3A_402 : vector<16xi32> to vector<16xi32>
      tpu.vector_store %arg8[%swap3A_403], %swap3A_406 {strides = array<i32>} : memref<128xi32, #tpu.memory_space<vmem>>, vector<16xi32>,
      %and3A_407 = arith.constant 65535 : i32
      %and3A_408 = vector.broadcast %and3A_407 : i32 to vector<16xi32>
      %and3A_409 = arith.andi %get3A_399, %and3A_408 : vector<16xi32>
      %swap3A_410 = arith.constant 0 : index
      %swap3A_411 = tpu.vector_load %arg10[%swap3A_410] {strides = array<i32>} : memref<128xi32, #tpu.memory_space<vmem>>, vector<16xi32>,
      %swap3A_412 = vector.shape_cast %swap3A_411 : vector<16xi32> to vector<16xi32>
      %swap3A_413 = vector.shape_cast %and3A_409 : vector<16xi32> to vector<16xi32>
      tpu.vector_store %arg10[%swap3A_410], %swap3A_413 {strides = array<i32>} : memref<128xi32, #tpu.memory_space<vmem>>, vector<16xi32>,
      %get3A_414 = arith.constant 16 : index
      %get3A_415 = tpu.vector_load %arg6[%get3A_414] {strides = array<i32>} : memref<128xi32, #tpu.memory_space<vmem>>, vector<16xi32>,
      %get3A_416 = vector.shape_cast %get3A_415 : vector<16xi32> to vector<16xi32>
      %shift_right_arithmetic3A_417 = arith.constant 16 : i32
      %shift_right_arithmetic3A_418 = vector.broadcast %shift_right_arithmetic3A_417 : i32 to vector<16xi32>
      %shift_right_arithmetic3A_419 = arith.shrsi %get3A_416, %shift_right_arithmetic3A_418 : vector<16xi32>
      %swap3A_420 = arith.constant 16 : index
      %swap3A_421 = tpu.vector_load %arg8[%swap3A_420] {strides = array<i32>} : memref<128xi32, #tpu.memory_space<vmem>>, vector<16xi32>,
      %swap3A_422 = vector.shape_cast %swap3A_421 : vector<16xi32> to vector<16xi32>
      %swap3A_423 = vector.shape_cast %shift_right_arithmetic3A_419 : vector<16xi32> to vector<16xi32>
      tpu.vector_store %arg8[%swap3A_420], %swap3A_423 {strides = array<i32>} : memref<128xi32, #tpu.memory_space<vmem>>, vector<16xi32>,
      %and3A_424 = arith.constant 65535 : i32
      %and3A_425 = vector.broadcast %and3A_424 : i32 to vector<16xi32>
      %and3A_426 = arith.andi %get3A_416, %and3A_425 : vector<16xi32>
      %swap3A_427 = arith.constant 16 : index
      %swap3A_428 = tpu.vector_load %arg10[%swap3A_427] {strides = array<i32>} : memref<128xi32, #tpu.memory_space<vmem>>, vector<16xi32>,
      %swap3A_429 = vector.shape_cast %swap3A_428 : vector<16xi32> to vector<16xi32>
      %swap3A_430 = vector.shape_cast %and3A_426 : vector<16xi32> to vector<16xi32>
      tpu.vector_store %arg10[%swap3A_427], %swap3A_430 {strides = array<i32>} : memref<128xi32, #tpu.memory_space<vmem>>, vector<16xi32>,
      %get3A_431 = arith.constant 32 : index
      %get3A_432 = tpu.vector_load %arg6[%get3A_431] {strides = array<i32>} : memref<128xi32, #tpu.memory_space<vmem>>, vector<16xi32>,
      %get3A_433 = vector.shape_cast %get3A_432 : vector<16xi32> to vector<16xi32>
      %shift_right_arithmetic3A_434 = arith.constant 16 : i32
      %shift_right_arithmetic3A_435 = vector.broadcast %shift_right_arithmetic3A_434 : i32 to vector<16xi32>
      %shift_right_arithmetic3A_436 = arith.shrsi %get3A_433, %shift_right_arithmetic3A_435 : vector<16xi32>
      %swap3A_437 = arith.constant 32 : index
      %swap3A_438 = tpu.vector_load %arg8[%swap3A_437] {strides = array<i32>} : memref<128xi32, #tpu.memory_space<vmem>>, vector<16xi32>,
      %swap3A_439 = vector.shape_cast %swap3A_438 : vector<16xi32> to vector<16xi32>
      %swap3A_440 = vector.shape_cast %shift_right_arithmetic3A_436 : vector<16xi32> to vector<16xi32>
      tpu.vector_store %arg8[%swap3A_437], %swap3A_440 {strides = array<i32>} : memref<128xi32, #tpu.memory_space<vmem>>, vector<16xi32>,
      %and3A_441 = arith.constant 65535 : i32
      %and3A_442 = vector.broadcast %and3A_441 : i32 to vector<16xi32>
      %and3A_443 = arith.andi %get3A_433, %and3A_442 : vector<16xi32>
      %swap3A_444 = arith.constant 32 : index
      %swap3A_445 = tpu.vector_load %arg10[%swap3A_444] {strides = array<i32>} : memref<128xi32, #tpu.memory_space<vmem>>, vector<16xi32>,
      %swap3A_446 = vector.shape_cast %swap3A_445 : vector<16xi32> to vector<16xi32>
      %swap3A_447 = vector.shape_cast %and3A_443 : vector<16xi32> to vector<16xi32>
      tpu.vector_store %arg10[%swap3A_444], %swap3A_447 {strides = array<i32>} : memref<128xi32, #tpu.memory_space<vmem>>, vector<16xi32>,
      %get3A_448 = arith.constant 48 : index
      %get3A_449 = tpu.vector_load %arg6[%get3A_448] {strides = array<i32>} : memref<128xi32, #tpu.memory_space<vmem>>, vector<16xi32>,
      %get3A_450 = vector.shape_cast %get3A_449 : vector<16xi32> to vector<16xi32>
      %shift_right_arithmetic3A_451 = arith.constant 16 : i32
      %shift_right_arithmetic3A_452 = vector.broadcast %shift_right_arithmetic3A_451 : i32 to vector<16xi32>
      %shift_right_arithmetic3A_453 = arith.shrsi %get3A_450, %shift_right_arithmetic3A_452 : vector<16xi32>
      %swap3A_454 = arith.constant 48 : index
      %swap3A_455 = tpu.vector_load %arg8[%swap3A_454] {strides = array<i32>} : memref<128xi32, #tpu.memory_space<vmem>>, vector<16xi32>,
      %swap3A_456 = vector.shape_cast %swap3A_455 : vector<16xi32> to vector<16xi32>
      %swap3A_457 = vector.shape_cast %shift_right_arithmetic3A_453 : vector<16xi32> to vector<16xi32>
      tpu.vector_store %arg8[%swap3A_454], %swap3A_457 {strides = array<i32>} : memref<128xi32, #tpu.memory_space<vmem>>, vector<16xi32>,
      %and3A_458 = arith.constant 65535 : i32
      %and3A_459 = vector.broadcast %and3A_458 : i32 to vector<16xi32>
      %and3A_460 = arith.andi %get3A_450, %and3A_459 : vector<16xi32>
      %swap3A_461 = arith.constant 48 : index
      %swap3A_462 = tpu.vector_load %arg10[%swap3A_461] {strides = array<i32>} : memref<128xi32, #tpu.memory_space<vmem>>, vector<16xi32>,
      %swap3A_463 = vector.shape_cast %swap3A_462 : vector<16xi32> to vector<16xi32>
      %swap3A_464 = vector.shape_cast %and3A_460 : vector<16xi32> to vector<16xi32>
      tpu.vector_store %arg10[%swap3A_461], %swap3A_464 {strides = array<i32>} : memref<128xi32, #tpu.memory_space<vmem>>, vector<16xi32>,
      %get3A_465 = arith.constant 64 : index
      %get3A_466 = tpu.vector_load %arg6[%get3A_465] {strides = array<i32>} : memref<128xi32, #tpu.memory_space<vmem>>, vector<16xi32>,
      %get3A_467 = vector.shape_cast %get3A_466 : vector<16xi32> to vector<16xi32>
      %shift_right_arithmetic3A_468 = arith.constant 16 : i32
      %shift_right_arithmetic3A_469 = vector.broadcast %shift_right_arithmetic3A_468 : i32 to vector<16xi32>
      %shift_right_arithmetic3A_470 = arith.shrsi %get3A_467, %shift_right_arithmetic3A_469 : vector<16xi32>
      %swap3A_471 = arith.constant 64 : index
      %swap3A_472 = tpu.vector_load %arg8[%swap3A_471] {strides = array<i32>} : memref<128xi32, #tpu.memory_space<vmem>>, vector<16xi32>,
      %swap3A_473 = vector.shape_cast %swap3A_472 : vector<16xi32> to vector<16xi32>
      %swap3A_474 = vector.shape_cast %shift_right_arithmetic3A_470 : vector<16xi32> to vector<16xi32>
      tpu.vector_store %arg8[%swap3A_471], %swap3A_474 {strides = array<i32>} : memref<128xi32, #tpu.memory_space<vmem>>, vector<16xi32>,
      %and3A_475 = arith.constant 65535 : i32
      %and3A_476 = vector.broadcast %and3A_475 : i32 to vector<16xi32>
      %and3A_477 = arith.andi %get3A_467, %and3A_476 : vector<16xi32>
      %swap3A_478 = arith.constant 64 : index
      %swap3A_479 = tpu.vector_load %arg10[%swap3A_478] {strides = array<i32>} : memref<128xi32, #tpu.memory_space<vmem>>, vector<16xi32>,
      %swap3A_480 = vector.shape_cast %swap3A_479 : vector<16xi32> to vector<16xi32>
      %swap3A_481 = vector.shape_cast %and3A_477 : vector<16xi32> to vector<16xi32>
      tpu.vector_store %arg10[%swap3A_478], %swap3A_481 {strides = array<i32>} : memref<128xi32, #tpu.memory_space<vmem>>, vector<16xi32>,
      %get3A_482 = arith.constant 80 : index
      %get3A_483 = tpu.vector_load %arg6[%get3A_482] {strides = array<i32>} : memref<128xi32, #tpu.memory_space<vmem>>, vector<16xi32>,
      %get3A_484 = vector.shape_cast %get3A_483 : vector<16xi32> to vector<16xi32>
      %shift_right_arithmetic3A_485 = arith.constant 16 : i32
      %shift_right_arithmetic3A_486 = vector.broadcast %shift_right_arithmetic3A_485 : i32 to vector<16xi32>
      %shift_right_arithmetic3A_487 = arith.shrsi %get3A_484, %shift_right_arithmetic3A_486 : vector<16xi32>
      %swap3A_488 = arith.constant 80 : index
      %swap3A_489 = tpu.vector_load %arg8[%swap3A_488] {strides = array<i32>} : memref<128xi32, #tpu.memory_space<vmem>>, vector<16xi32>,
      %swap3A_490 = vector.shape_cast %swap3A_489 : vector<16xi32> to vector<16xi32>
      %swap3A_491 = vector.shape_cast %shift_right_arithmetic3A_487 : vector<16xi32> to vector<16xi32>
      tpu.vector_store %arg8[%swap3A_488], %swap3A_491 {strides = array<i32>} : memref<128xi32, #tpu.memory_space<vmem>>, vector<16xi32>,
      %and3A_492 = arith.constant 65535 : i32
      %and3A_493 = vector.broadcast %and3A_492 : i32 to vector<16xi32>
      %and3A_494 = arith.andi %get3A_484, %and3A_493 : vector<16xi32>
      %swap3A_495 = arith.constant 80 : index
      %swap3A_496 = tpu.vector_load %arg10[%swap3A_495] {strides = array<i32>} : memref<128xi32, #tpu.memory_space<vmem>>, vector<16xi32>,
      %swap3A_497 = vector.shape_cast %swap3A_496 : vector<16xi32> to vector<16xi32>
      %swap3A_498 = vector.shape_cast %and3A_494 : vector<16xi32> to vector<16xi32>
      tpu.vector_store %arg10[%swap3A_495], %swap3A_498 {strides = array<i32>} : memref<128xi32, #tpu.memory_space<vmem>>, vector<16xi32>,
      %get3A_499 = arith.constant 96 : index
      %get3A_500 = tpu.vector_load %arg6[%get3A_499] {strides = array<i32>} : memref<128xi32, #tpu.memory_space<vmem>>, vector<16xi32>,
      %get3A_501 = vector.shape_cast %get3A_500 : vector<16xi32> to vector<16xi32>
      %shift_right_arithmetic3A_502 = arith.constant 16 : i32
      %shift_right_arithmetic3A_503 = vector.broadcast %shift_right_arithmetic3A_502 : i32 to vector<16xi32>
      %shift_right_arithmetic3A_504 = arith.shrsi %get3A_501, %shift_right_arithmetic3A_503 : vector<16xi32>
      %swap3A_505 = arith.constant 96 : index
      %swap3A_506 = tpu.vector_load %arg8[%swap3A_505] {strides = array<i32>} : memref<128xi32, #tpu.memory_space<vmem>>, vector<16xi32>,
      %swap3A_507 = vector.shape_cast %swap3A_506 : vector<16xi32> to vector<16xi32>
      %swap3A_508 = vector.shape_cast %shift_right_arithmetic3A_504 : vector<16xi32> to vector<16xi32>
      tpu.vector_store %arg8[%swap3A_505], %swap3A_508 {strides = array<i32>} : memref<128xi32, #tpu.memory_space<vmem>>, vector<16xi32>,
      %and3A_509 = arith.constant 65535 : i32
      %and3A_510 = vector.broadcast %and3A_509 : i32 to vector<16xi32>
      %and3A_511 = arith.andi %get3A_501, %and3A_510 : vector<16xi32>
      %swap3A_512 = arith.constant 96 : index
      %swap3A_513 = tpu.vector_load %arg10[%swap3A_512] {strides = array<i32>} : memref<128xi32, #tpu.memory_space<vmem>>, vector<16xi32>,
      %swap3A_514 = vector.shape_cast %swap3A_513 : vector<16xi32> to vector<16xi32>
      %swap3A_515 = vector.shape_cast %and3A_511 : vector<16xi32> to vector<16xi32>
      tpu.vector_store %arg10[%swap3A_512], %swap3A_515 {strides = array<i32>} : memref<128xi32, #tpu.memory_space<vmem>>, vector<16xi32>,
      %get3A_516 = arith.constant 112 : index
      %get3A_517 = tpu.vector_load %arg6[%get3A_516] {strides = array<i32>} : memref<128xi32, #tpu.memory_space<vmem>>, vector<16xi32>,
      %get3A_518 = vector.shape_cast %get3A_517 : vector<16xi32> to vector<16xi32>
      %shift_right_arithmetic3A_519 = arith.constant 16 : i32
      %shift_right_arithmetic3A_520 = vector.broadcast %shift_right_arithmetic3A_519 : i32 to vector<16xi32>
      %shift_right_arithmetic3A_521 = arith.shrsi %get3A_518, %shift_right_arithmetic3A_520 : vector<16xi32>
      %swap3A_522 = arith.constant 112 : index
      %swap3A_523 = tpu.vector_load %arg8[%swap3A_522] {strides = array<i32>} : memref<128xi32, #tpu.memory_space<vmem>>, vector<16xi32>,
      %swap3A_524 = vector.shape_cast %swap3A_523 : vector<16xi32> to vector<16xi32>
      %swap3A_525 = vector.shape_cast %shift_right_arithmetic3A_521 : vector<16xi32> to vector<16xi32>
      tpu.vector_store %arg8[%swap3A_522], %swap3A_525 {strides = array<i32>} : memref<128xi32, #tpu.memory_space<vmem>>, vector<16xi32>,
      %and3A_526 = arith.constant 65535 : i32
      %and3A_527 = vector.broadcast %and3A_526 : i32 to vector<16xi32>
      %and3A_528 = arith.andi %get3A_518, %and3A_527 : vector<16xi32>
      %swap3A_529 = arith.constant 112 : index
      %swap3A_530 = tpu.vector_load %arg10[%swap3A_529] {strides = array<i32>} : memref<128xi32, #tpu.memory_space<vmem>>, vector<16xi32>,
      %swap3A_531 = vector.shape_cast %swap3A_530 : vector<16xi32> to vector<16xi32>
      %swap3A_532 = vector.shape_cast %and3A_528 : vector<16xi32> to vector<16xi32>
      tpu.vector_store %arg10[%swap3A_529], %swap3A_532 {strides = array<i32>} : memref<128xi32, #tpu.memory_space<vmem>>, vector<16xi32>,
      %dma_start3A_533 = arith.constant 0 : i32
      %dma_start3A_534 = arith.constant 0 : i32
      %dma_start3A_535 = tpu.memref_slice %arg3[%dma_start3A_533, %dma_start3A_534] : memref<10000x128xf32, #tpu.memory_space<hbm>> -> memref<10000x128xf32, #tpu.memory_space<hbm>>
      tpu.enqueue_indirect_dma source(%dma_start3A_535 : memref<10000x128xf32, #tpu.memory_space<hbm>>) target(%arg12 : memref<128x128xf32, #tpu.memory_space<vmem>>) offsets(%arg8 : memref<128xi32, #tpu.memory_space<vmem>>) semaphore(%arg19 : memref<!tpu.dma_semaphore, #tpu.memory_space<semaphore_mem>>)
      %dma_wait3A_536 = arith.constant 0 : i32
      %dma_wait3A_537 = arith.constant 0 : i32
      %dma_wait3A_538 = tpu.memref_slice %arg3[%dma_wait3A_536, %dma_wait3A_537] : memref<10000x128xf32, #tpu.memory_space<hbm>> -> memref<10000x128xf32, #tpu.memory_space<hbm>>
      tpu.wait_indirect_dma semaphore(%arg20 : memref<!tpu.dma_semaphore, #tpu.memory_space<semaphore_mem>>) src(%dma_wait3A_538 : memref<10000x128xf32, #tpu.memory_space<hbm>>) dst(%arg13 : memref<128x128xf32, #tpu.memory_space<vmem>>)
      "tpu.region"() ({
        %run_scoped3A = tpu.sem_alloc : memref<!tpu.dma_semaphore, #tpu.memory_space<semaphore_mem>>
        %dma_start3A_540 = arith.constant 0 : i32
        %dma_start3A_541 = arith.constant 0 : i32
        %dma_start3A_542 = tpu.memref_slice %arg17[%dma_start3A_540, %dma_start3A_541] : memref<10112x128xf32, #tpu.memory_space<vmem_shared>> -> memref<10112x128xf32, #tpu.memory_space<vmem_shared>>
        tpu.enqueue_indirect_dma source(%arg13 : memref<128x128xf32, #tpu.memory_space<vmem>>) target(%dma_start3A_542 : memref<10112x128xf32, #tpu.memory_space<vmem_shared>>) offsets(%arg11 : memref<128xi32, #tpu.memory_space<vmem>>) semaphore(%run_scoped3A : memref<!tpu.dma_semaphore, #tpu.memory_space<semaphore_mem>>) {add = true}
        %dma_wait3A_543 = arith.constant 0 : i32
        %dma_wait3A_544 = arith.constant 0 : i32
        %dma_wait3A_545 = tpu.memref_slice %arg17[%dma_wait3A_543, %dma_wait3A_544] : memref<10112x128xf32, #tpu.memory_space<vmem_shared>> -> memref<10112x128xf32, #tpu.memory_space<vmem_shared>>
        tpu.wait_indirect_dma semaphore(%run_scoped3A : memref<!tpu.dma_semaphore, #tpu.memory_space<semaphore_mem>>) src(%arg13 : memref<128x128xf32, #tpu.memory_space<vmem>>) dst(%dma_wait3A_545 : memref<10112x128xf32, #tpu.memory_space<vmem_shared>>)
        tpu.yield
      }) : () -> ()
      "tpu.region"() ({
        %run_scoped3A = tpu.sem_alloc : memref<!tpu.dma_semaphore, #tpu.memory_space<semaphore_mem>>
        %dma_start3A_540 = arith.constant 0 : i32
        %dma_start3A_541 = tpu.memref_slice %arg18[%dma_start3A_540] : memref<10240xf32, #tpu.memory_space<vmem_shared>> -> memref<10240xf32, #tpu.memory_space<vmem_shared>>
        tpu.enqueue_indirect_dma source(%arg14 : memref<128xf32, #tpu.memory_space<vmem>>) target(%dma_start3A_541 : memref<10240xf32, #tpu.memory_space<vmem_shared>>) offsets(%arg11 : memref<128xi32, #tpu.memory_space<vmem>>) semaphore(%run_scoped3A : memref<!tpu.dma_semaphore, #tpu.memory_space<semaphore_mem>>) {add = true}
        %dma_wait3A_542 = arith.constant 0 : i32
        %dma_wait3A_543 = tpu.memref_slice %arg18[%dma_wait3A_542] : memref<10240xf32, #tpu.memory_space<vmem_shared>> -> memref<10240xf32, #tpu.memory_space<vmem_shared>>
        tpu.wait_indirect_dma semaphore(%run_scoped3A : memref<!tpu.dma_semaphore, #tpu.memory_space<semaphore_mem>>) src(%arg14 : memref<128xf32, #tpu.memory_space<vmem>>) dst(%dma_wait3A_543 : memref<10240xf32, #tpu.memory_space<vmem_shared>>)
        tpu.yield
      }) : () -> ()
      %scan3A_539 = arith.constant 0 : i32
      scf.yield %scan3A_539 : i32
    }
    %scan3A_217 = arith.constant 39 : i32
    %dma_wait3A = arith.constant 0 : i32
    %dma_wait3A_218 = arith.constant 0 : i32
    %dma_wait3A_219 = tpu.memref_slice %arg3[%dma_wait3A, %dma_wait3A_218] : memref<10000x128xf32, #tpu.memory_space<hbm>> -> memref<10000x128xf32, #tpu.memory_space<hbm>>
    tpu.wait_indirect_dma semaphore(%arg19 : memref<!tpu.dma_semaphore, #tpu.memory_space<semaphore_mem>>) src(%dma_wait3A_219 : memref<10000x128xf32, #tpu.memory_space<hbm>>) dst(%arg12 : memref<128x128xf32, #tpu.memory_space<vmem>>)
    "tpu.region"() ({
      %run_scoped3A = tpu.sem_alloc : memref<!tpu.dma_semaphore, #tpu.memory_space<semaphore_mem>>
      %dma_start3A_235 = arith.constant 0 : i32
      %dma_start3A_236 = arith.constant 0 : i32
      %dma_start3A_237 = tpu.memref_slice %arg17[%dma_start3A_235, %dma_start3A_236] : memref<10112x128xf32, #tpu.memory_space<vmem_shared>> -> memref<10112x128xf32, #tpu.memory_space<vmem_shared>>
      tpu.enqueue_indirect_dma source(%arg12 : memref<128x128xf32, #tpu.memory_space<vmem>>) target(%dma_start3A_237 : memref<10112x128xf32, #tpu.memory_space<vmem_shared>>) offsets(%arg10 : memref<128xi32, #tpu.memory_space<vmem>>) semaphore(%run_scoped3A : memref<!tpu.dma_semaphore, #tpu.memory_space<semaphore_mem>>) {add = true}
      %dma_wait3A_238 = arith.constant 0 : i32
      %dma_wait3A_239 = arith.constant 0 : i32
      %dma_wait3A_240 = tpu.memref_slice %arg17[%dma_wait3A_238, %dma_wait3A_239] : memref<10112x128xf32, #tpu.memory_space<vmem_shared>> -> memref<10112x128xf32, #tpu.memory_space<vmem_shared>>
      tpu.wait_indirect_dma semaphore(%run_scoped3A : memref<!tpu.dma_semaphore, #tpu.memory_space<semaphore_mem>>) src(%arg12 : memref<128x128xf32, #tpu.memory_space<vmem>>) dst(%dma_wait3A_240 : memref<10112x128xf32, #tpu.memory_space<vmem_shared>>)
      tpu.yield
    }) : () -> ()
    "tpu.region"() ({
      %run_scoped3A = tpu.sem_alloc : memref<!tpu.dma_semaphore, #tpu.memory_space<semaphore_mem>>
      %dma_start3A_235 = arith.constant 0 : i32
      %dma_start3A_236 = tpu.memref_slice %arg18[%dma_start3A_235] : memref<10240xf32, #tpu.memory_space<vmem_shared>> -> memref<10240xf32, #tpu.memory_space<vmem_shared>>
      tpu.enqueue_indirect_dma source(%arg14 : memref<128xf32, #tpu.memory_space<vmem>>) target(%dma_start3A_236 : memref<10240xf32, #tpu.memory_space<vmem_shared>>) offsets(%arg10 : memref<128xi32, #tpu.memory_space<vmem>>) semaphore(%run_scoped3A : memref<!tpu.dma_semaphore, #tpu.memory_space<semaphore_mem>>) {add = true}
      %dma_wait3A_237 = arith.constant 0 : i32
      %dma_wait3A_238 = tpu.memref_slice %arg18[%dma_wait3A_237] : memref<10240xf32, #tpu.memory_space<vmem_shared>> -> memref<10240xf32, #tpu.memory_space<vmem_shared>>
      tpu.wait_indirect_dma semaphore(%run_scoped3A : memref<!tpu.dma_semaphore, #tpu.memory_space<semaphore_mem>>) src(%arg14 : memref<128xf32, #tpu.memory_space<vmem>>) dst(%dma_wait3A_238 : memref<10240xf32, #tpu.memory_space<vmem_shared>>)
      tpu.yield
    }) : () -> ()
    %barrier3A_220 = arith.constant 0 : index
    tpu.barrier barrier_id(%barrier3A_220)
    %scan3A_221 = arith.constant 0 : i32
    %scan3A_222 = arith.constant 0 : i32
    %scan3A_223 = arith.constant 4 : i32
    %scan3A_224 = arith.addi %scan3A_222, %scan3A_223 : i32
    %scan3A_225 = arith.constant 1 : i32
    %scan3A_226 = scf.for %scan3A_235 = %scan3A_222 to %scan3A_224 step %scan3A_225 iter_args(%scan3A_236 = %scan3A_221) -> (i32)  : i32 {
      %mul3A_237 = arith.constant 128 : i32
      %mul3A_238 = arith.muli %scan3A_235, %mul3A_237 : i32
      %add3A_239 = arith.addi %multiple_of3A, %mul3A_238 : i32
      %multiple_of3A_240 = tpu.assume_multiple %add3A_239, 8 : i32
      "tpu.region"() ({
        %run_scoped3A = tpu.sem_alloc : memref<!tpu.dma_semaphore, #tpu.memory_space<semaphore_mem>>
        %dma_start3A_242 = arith.constant 0 : i32
        %dma_start3A_243 = tpu.memref_slice %arg4[%arg0, %multiple_of3A_240, %dma_start3A_242] : memref<2x10112x128xf32, #tpu.memory_space<hbm>> -> memref<1x128x128xf32, #tpu.memory_space<hbm>>
        %dma_start3A_244 = tpu.memref_squeeze %dma_start3A_243 : memref<1x128x128xf32, #tpu.memory_space<hbm>> -> memref<128x128xf32, #tpu.memory_space<hbm>>
        %dma_start3A_245 = arith.constant 0 : i32
        %dma_start3A_246 = tpu.memref_slice %arg17[%multiple_of3A_240, %dma_start3A_245] : memref<10112x128xf32, #tpu.memory_space<vmem_shared>> -> memref<128x128xf32, #tpu.memory_space<vmem_shared>>
        tpu.enqueue_dma source(%dma_start3A_246 : memref<128x128xf32, #tpu.memory_space<vmem_shared>>) target(%dma_start3A_244 : memref<128x128xf32, #tpu.memory_space<hbm>>) target_semaphore(%run_scoped3A : memref<!tpu.dma_semaphore, #tpu.memory_space<semaphore_mem>>)
        %dma_wait3A_247 = arith.constant 0 : i32
        %dma_wait3A_248 = tpu.memref_slice %arg4[%arg0, %multiple_of3A_240, %dma_wait3A_247] : memref<2x10112x128xf32, #tpu.memory_space<hbm>> -> memref<1x128x128xf32, #tpu.memory_space<hbm>>
        %dma_wait3A_249 = tpu.memref_squeeze %dma_wait3A_248 : memref<1x128x128xf32, #tpu.memory_space<hbm>> -> memref<128x128xf32, #tpu.memory_space<hbm>>
        %dma_wait3A_250 = arith.constant 0 : i32
        %dma_wait3A_251 = tpu.memref_slice %arg17[%multiple_of3A_240, %dma_wait3A_250] : memref<10112x128xf32, #tpu.memory_space<vmem_shared>> -> memref<128x128xf32, #tpu.memory_space<vmem_shared>>
        tpu.wait_dma2 semaphore(%run_scoped3A : memref<!tpu.dma_semaphore, #tpu.memory_space<semaphore_mem>>) src(%dma_wait3A_251 : memref<128x128xf32, #tpu.memory_space<vmem_shared>>) dst(%dma_wait3A_249 : memref<128x128xf32, #tpu.memory_space<hbm>>)
        tpu.yield
      }) : () -> ()
      %scan3A_241 = arith.constant 0 : i32
      scf.yield %scan3A_241 : i32
    }
    %scan3A_227 = arith.constant 4 : i32
    %add3A_228 = arith.constant 512 : i32
    %add3A_229 = arith.addi %multiple_of3A, %add3A_228 : i32
    %multiple_of3A_230 = tpu.assume_multiple %add3A_229, 8 : i32
    "tpu.region"() ({
      %run_scoped3A = tpu.sem_alloc : memref<!tpu.dma_semaphore, #tpu.memory_space<semaphore_mem>>
      %dma_start3A_235 = arith.constant 0 : i32
      %dma_start3A_236 = tpu.memref_slice %arg4[%arg0, %multiple_of3A_230, %dma_start3A_235] : memref<2x10112x128xf32, #tpu.memory_space<hbm>> -> memref<1x120x128xf32, #tpu.memory_space<hbm>>
      %dma_start3A_237 = tpu.memref_squeeze %dma_start3A_236 : memref<1x120x128xf32, #tpu.memory_space<hbm>> -> memref<120x128xf32, #tpu.memory_space<hbm>>
      %dma_start3A_238 = arith.constant 0 : i32
      %dma_start3A_239 = tpu.memref_slice %arg17[%multiple_of3A_230, %dma_start3A_238] : memref<10112x128xf32, #tpu.memory_space<vmem_shared>> -> memref<120x128xf32, #tpu.memory_space<vmem_shared>>
      tpu.enqueue_dma source(%dma_start3A_239 : memref<120x128xf32, #tpu.memory_space<vmem_shared>>) target(%dma_start3A_237 : memref<120x128xf32, #tpu.memory_space<hbm>>) target_semaphore(%run_scoped3A : memref<!tpu.dma_semaphore, #tpu.memory_space<semaphore_mem>>)
      %dma_wait3A_240 = arith.constant 0 : i32
      %dma_wait3A_241 = tpu.memref_slice %arg4[%arg0, %multiple_of3A_230, %dma_wait3A_240] : memref<2x10112x128xf32, #tpu.memory_space<hbm>> -> memref<1x120x128xf32, #tpu.memory_space<hbm>>
      %dma_wait3A_242 = tpu.memref_squeeze %dma_wait3A_241 : memref<1x120x128xf32, #tpu.memory_space<hbm>> -> memref<120x128xf32, #tpu.memory_space<hbm>>
      %dma_wait3A_243 = arith.constant 0 : i32
      %dma_wait3A_244 = tpu.memref_slice %arg17[%multiple_of3A_230, %dma_wait3A_243] : memref<10112x128xf32, #tpu.memory_space<vmem_shared>> -> memref<120x128xf32, #tpu.memory_space<vmem_shared>>
      tpu.wait_dma2 semaphore(%run_scoped3A : memref<!tpu.dma_semaphore, #tpu.memory_space<semaphore_mem>>) src(%dma_wait3A_244 : memref<120x128xf32, #tpu.memory_space<vmem_shared>>) dst(%dma_wait3A_242 : memref<120x128xf32, #tpu.memory_space<hbm>>)
      tpu.yield
    }) : () -> ()
    %mul3A_231 = arith.constant 10240 : i32
    %mul3A_232 = arith.muli %arg0, %mul3A_231 : i32
    %add3A_233 = arith.addi %mul3A_232, %multiple_of3A_73 : i32
    %multiple_of3A_234 = tpu.assume_multiple %add3A_233, 128 : i32
    "tpu.region"() ({
      %run_scoped3A = tpu.sem_alloc : memref<!tpu.dma_semaphore, #tpu.memory_space<semaphore_mem>>
      %dma_start3A_235 = tpu.memref_slice %arg5[%multiple_of3A_234] : memref<20480xf32, #tpu.memory_space<hbm>> -> memref<640xf32, #tpu.memory_space<hbm>>
      %dma_start3A_236 = tpu.memref_slice %arg18[%multiple_of3A_73] : memref<10240xf32, #tpu.memory_space<vmem_shared>> -> memref<640xf32, #tpu.memory_space<vmem_shared>>
      tpu.enqueue_dma source(%dma_start3A_236 : memref<640xf32, #tpu.memory_space<vmem_shared>>) target(%dma_start3A_235 : memref<640xf32, #tpu.memory_space<hbm>>) target_semaphore(%run_scoped3A : memref<!tpu.dma_semaphore, #tpu.memory_space<semaphore_mem>>)
      %dma_wait3A_237 = tpu.memref_slice %arg5[%multiple_of3A_234] : memref<20480xf32, #tpu.memory_space<hbm>> -> memref<640xf32, #tpu.memory_space<hbm>>
      %dma_wait3A_238 = tpu.memref_slice %arg18[%multiple_of3A_73] : memref<10240xf32, #tpu.memory_space<vmem_shared>> -> memref<640xf32, #tpu.memory_space<vmem_shared>>
      tpu.wait_dma2 semaphore(%run_scoped3A : memref<!tpu.dma_semaphore, #tpu.memory_space<semaphore_mem>>) src(%dma_wait3A_238 : memref<640xf32, #tpu.memory_space<vmem_shared>>) dst(%dma_wait3A_237 : memref<640xf32, #tpu.memory_space<hbm>>)
      tpu.yield
    }) : () -> ()
    return
  }
}

module attributes {stable_mosaic.version = 14 : i64} {
  func.func @_mu_body(%arg0: i32, %arg1: memref<2000x128xf32, #tpu.memory_space<vmem>>, %arg2: memref<2000x1xf32, #tpu.memory_space<vmem>>, %arg3: memref<2000x1xf32, #tpu.memory_space<vmem>>, %arg4: memref<1x128xf32, #tpu.memory_space<vmem>>, %arg5: memref<1x128xf32, #tpu.memory_space<vmem>>, %arg6: memref<128x128xf32, #tpu.memory_space<vmem>>, %arg7: memref<2000x128xf32, #tpu.memory_space<vmem>>) attributes {dimension_semantics = [#tpu.dimension_semantics<arbitrary>], iteration_bounds = array<i64: 5>, scalar_prefetch = 0 : i64, scratch_operands = 0 : i64, tpu.core_type = #tpu.core_type<tc>, window_params = [{transform_indices = @transform_0, window_bounds = array<i64: 2000, 128>}, {transform_indices = @transform_1, window_bounds = array<i64: 2000, 1>}, {transform_indices = @transform_2, window_bounds = array<i64: 2000, 1>}, {pipeline_mode = #tpu.pipeline_mode<synchronous>, transform_indices = @transform_3, window_bounds = array<i64: 1, 128>}, {pipeline_mode = #tpu.pipeline_mode<synchronous>, transform_indices = @transform_4, window_bounds = array<i64: 1, 128>}, {pipeline_mode = #tpu.pipeline_mode<synchronous>, transform_indices = @transform_5, window_bounds = array<i64: 128, 128>}, {transform_indices = @transform_6, window_bounds = array<i64: 2000, 128>}]} {
    %get3A = arith.constant 0 : index
    %get3A_0 = arith.constant 0 : index
    %get3A_1 = vector.load %arg1[%get3A, %get3A_0] : memref<2000x128xf32, #tpu.memory_space<vmem>>, vector<2000x128xf32>
    %mul3A = arith.mulf %get3A_1, %get3A_1 : vector<2000x128xf32>
    %reduce_sum3A = arith.constant dense<0.000000e+00> : vector<2000xf32>
    %reduce_sum3A_2 = vector.multi_reduction <add>, %mul3A, %reduce_sum3A [1] : vector<2000x128xf32> to vector<2000xf32>
    %broadcast_in_dim3A = vector.shape_cast %reduce_sum3A_2 : vector<2000xf32> to vector<2000x1xf32>
    %sqrt3A = math.sqrt %broadcast_in_dim3A : vector<2000x1xf32>
    %eq3A = arith.constant 0.000000e+00 : f32
    %eq3A_3 = vector.broadcast %eq3A : f32 to vector<2000x1xf32>
    %eq3A_4 = arith.cmpf oeq, %sqrt3A, %eq3A_3 : vector<2000x1xf32>
    %jit3A = arith.constant 1.000000e+00 : f32
    %broadcast_in_dim3A_5 = vector.broadcast %jit3A : f32 to vector<2000x1xf32>
    %select_n3A = arith.select %eq3A_4, %broadcast_in_dim3A_5, %sqrt3A : vector<2000x1xi1>, vector<2000x1xf32>
    %div3A = vector.broadcast %select_n3A : vector<2000x1xf32> to vector<2000x128xf32>
    %div3A_6 = arith.divf %get3A_1, %div3A : vector<2000x128xf32>
    %get3A_7 = arith.constant 0 : index
    %get3A_8 = arith.constant 0 : index
    %get3A_9 = vector.load %arg2[%get3A_7, %get3A_8] : memref<2000x1xf32, #tpu.memory_space<vmem>>, vector<2000x1xf32>
    %get3A_10 = arith.constant 0 : index
    %get3A_11 = arith.constant 0 : index
    %get3A_12 = vector.load %arg4[%get3A_10, %get3A_11] : memref<1x128xf32, #tpu.memory_space<vmem>>, vector<1x128xf32>
    %mul3A_13 = vector.broadcast %get3A_9 : vector<2000x1xf32> to vector<2000x128xf32>
    %mul3A_14 = vector.broadcast %get3A_12 : vector<1x128xf32> to vector<2000x128xf32>
    %mul3A_15 = arith.mulf %mul3A_13, %mul3A_14 : vector<2000x128xf32>
    %get3A_16 = arith.constant 0 : index
    %get3A_17 = arith.constant 0 : index
    %get3A_18 = vector.load %arg3[%get3A_16, %get3A_17] : memref<2000x1xf32, #tpu.memory_space<vmem>>, vector<2000x1xf32>
    %get3A_19 = arith.constant 0 : index
    %get3A_20 = arith.constant 0 : index
    %get3A_21 = vector.load %arg5[%get3A_19, %get3A_20] : memref<1x128xf32, #tpu.memory_space<vmem>>, vector<1x128xf32>
    %mul3A_22 = vector.broadcast %get3A_18 : vector<2000x1xf32> to vector<2000x128xf32>
    %mul3A_23 = vector.broadcast %get3A_21 : vector<1x128xf32> to vector<2000x128xf32>
    %mul3A_24 = arith.mulf %mul3A_22, %mul3A_23 : vector<2000x128xf32>
    %add3A = arith.addf %mul3A_15, %mul3A_24 : vector<2000x128xf32>
    %get3A_25 = arith.constant 0 : index
    %get3A_26 = arith.constant 0 : index
    %get3A_27 = vector.load %arg6[%get3A_25, %get3A_26] : memref<128x128xf32, #tpu.memory_space<vmem>>, vector<128x128xf32>
    %dot_general3A = arith.constant dense<0.000000e+00> : vector<2000x128xf32>
    %dot_general3A_28 = tpu.matmul %div3A_6, %get3A_27, %dot_general3A {dimension_numbers = #tpu.dot_dimension_numbers<[1], [0], [0], [1], [0, 0, 1, 1], [], []>, transpose_lhs_hint = false} : vector<2000x128xf32>, vector<128x128xf32>, vector<2000x128xf32> -> vector<2000x128xf32>
    %add3A_29 = arith.addf %add3A, %dot_general3A_28 : vector<2000x128xf32>
    %max3A = arith.constant 0.000000e+00 : f32
    %max3A_30 = vector.broadcast %max3A : f32 to vector<2000x128xf32>
    %max3A_31 = arith.maximumf %add3A_29, %max3A_30 : vector<2000x128xf32>
    %swap3A = arith.constant 0 : index
    %swap3A_32 = arith.constant 0 : index
    %swap3A_33 = vector.load %arg7[%swap3A, %swap3A_32] : memref<2000x128xf32, #tpu.memory_space<vmem>>, vector<2000x128xf32>
    tpu.vector_store %arg7[%swap3A, %swap3A_32], %max3A_31 {strides = array<i32>} : memref<2000x128xf32, #tpu.memory_space<vmem>>, vector<2000x128xf32>,
    return
  }
  func.func @transform_0(%arg0: i32) -> (i32, i32) {
    %c0_i32 = arith.constant 0 : i32
    %c0_i32_0 = arith.constant 0 : i32
    return %arg0, %c0_i32 : i32, i32
  }
  func.func @transform_1(%arg0: i32) -> (i32, i32) {
    %c0_i32 = arith.constant 0 : i32
    %c0_i32_0 = arith.constant 0 : i32
    return %arg0, %c0_i32 : i32, i32
  }
  func.func @transform_2(%arg0: i32) -> (i32, i32) {
    %c0_i32 = arith.constant 0 : i32
    %c0_i32_0 = arith.constant 0 : i32
    return %arg0, %c0_i32 : i32, i32
  }
  func.func @transform_3(%arg0: i32) -> (i32, i32) {
    %c0_i32 = arith.constant 0 : i32
    %c0_i32_0 = arith.constant 0 : i32
    %c0_i32_1 = arith.constant 0 : i32
    return %c0_i32, %c0_i32_0 : i32, i32
  }
  func.func @transform_4(%arg0: i32) -> (i32, i32) {
    %c0_i32 = arith.constant 0 : i32
    %c0_i32_0 = arith.constant 0 : i32
    %c0_i32_1 = arith.constant 0 : i32
    return %c0_i32, %c0_i32_0 : i32, i32
  }
  func.func @transform_5(%arg0: i32) -> (i32, i32) {
    %c0_i32 = arith.constant 0 : i32
    %c0_i32_0 = arith.constant 0 : i32
    %c0_i32_1 = arith.constant 0 : i32
    return %c0_i32, %c0_i32_0 : i32, i32
  }
  func.func @transform_6(%arg0: i32) -> (i32, i32) {
    %c0_i32 = arith.constant 0 : i32
    %c0_i32_0 = arith.constant 0 : i32
    return %arg0, %c0_i32 : i32, i32
  }
}

module attributes {stable_mosaic.version = 14 : i64} {
  func.func @_b1_body(%arg0: i32, %arg1: memref<2000x128xf32, #tpu.memory_space<vmem>>, %arg2: memref<1x2000x128xf32, #tpu.memory_space<vmem>>, %arg3: memref<1x2000x128xf32, #tpu.memory_space<vmem>>, %arg4: memref<2000x1xf32, #tpu.memory_space<vmem>>, %arg5: memref<2000x1xf32, #tpu.memory_space<vmem>>, %arg6: memref<128x128xf32, #tpu.memory_space<vmem>>, %arg7: memref<128x128xf32, #tpu.memory_space<vmem>>, %arg8: memref<128x128xf32, #tpu.memory_space<vmem>>, %arg9: memref<128x1xf32, #tpu.memory_space<vmem>>, %arg10: memref<2000x1xf32, #tpu.memory_space<vmem>>, %arg11: memref<1x128xf32, #tpu.memory_space<vmem>>) attributes {dimension_semantics = [#tpu.dimension_semantics<arbitrary>], iteration_bounds = array<i64: 5>, scalar_prefetch = 0 : i64, scratch_operands = 0 : i64, tpu.core_type = #tpu.core_type<tc>, window_params = [{transform_indices = @transform_0, window_bounds = array<i64: 2000, 128>}, {transform_indices = @transform_1, window_bounds = array<i64: 1, 2000, 128>}, {transform_indices = @transform_2, window_bounds = array<i64: 1, 2000, 128>}, {transform_indices = @transform_3, window_bounds = array<i64: 2000, 1>}, {transform_indices = @transform_4, window_bounds = array<i64: 2000, 1>}, {pipeline_mode = #tpu.pipeline_mode<synchronous>, transform_indices = @transform_5, window_bounds = array<i64: 128, 128>}, {pipeline_mode = #tpu.pipeline_mode<synchronous>, transform_indices = @transform_6, window_bounds = array<i64: 128, 128>}, {pipeline_mode = #tpu.pipeline_mode<synchronous>, transform_indices = @transform_7, window_bounds = array<i64: 128, 128>}, {pipeline_mode = #tpu.pipeline_mode<synchronous>, transform_indices = @transform_8, window_bounds = array<i64: 128, 1>}, {transform_indices = @transform_9, window_bounds = array<i64: 2000, 1>}, {pipeline_mode = #tpu.pipeline_mode<synchronous>, transform_indices = @transform_10, window_bounds = array<i64: 1, 128>}]} {
    %get3A = arith.constant 0 : index
    %get3A_0 = arith.constant 0 : index
    %get3A_1 = vector.load %arg1[%get3A, %get3A_0] : memref<2000x128xf32, #tpu.memory_space<vmem>>, vector<2000x128xf32>
    %get3A_2 = arith.constant 0 : index
    %get3A_3 = arith.constant 0 : index
    %get3A_4 = vector.load %arg4[%get3A_2, %get3A_3] : memref<2000x1xf32, #tpu.memory_space<vmem>>, vector<2000x1xf32>
    %get3A_5 = arith.constant 0 : index
    %get3A_6 = arith.constant 0 : index
    %get3A_7 = vector.load %arg5[%get3A_5, %get3A_6] : memref<2000x1xf32, #tpu.memory_space<vmem>>, vector<2000x1xf32>
    %add3A = arith.addf %get3A_4, %get3A_7 : vector<2000x1xf32>
    %mul3A = vector.broadcast %add3A : vector<2000x1xf32> to vector<2000x128xf32>
    %mul3A_8 = arith.mulf %mul3A, %get3A_1 : vector<2000x128xf32>
    %get3A_9 = arith.constant 0 : index
    %get3A_10 = arith.constant 0 : index
    %get3A_11 = arith.constant 0 : index
    %get3A_12 = vector.load %arg2[%get3A_9, %get3A_10, %get3A_11] : memref<1x2000x128xf32, #tpu.memory_space<vmem>>, vector<1x2000x128xf32>
    %get3A_13 = vector.shape_cast %get3A_12 : vector<1x2000x128xf32> to vector<2000x128xf32>
    %sub3A = arith.subf %mul3A_8, %get3A_13 : vector<2000x128xf32>
    %get3A_14 = arith.constant 0 : index
    %get3A_15 = arith.constant 0 : index
    %get3A_16 = arith.constant 0 : index
    %get3A_17 = vector.load %arg3[%get3A_14, %get3A_15, %get3A_16] : memref<1x2000x128xf32, #tpu.memory_space<vmem>>, vector<1x2000x128xf32>
    %get3A_18 = vector.shape_cast %get3A_17 : vector<1x2000x128xf32> to vector<2000x128xf32>
    %sub3A_19 = arith.subf %sub3A, %get3A_18 : vector<2000x128xf32>
    %max3A = arith.constant 0.000000e+00 : f32
    %max3A_20 = vector.broadcast %max3A : f32 to vector<2000x128xf32>
    %max3A_21 = arith.maximumf %get3A_1, %max3A_20 : vector<2000x128xf32>
    %get3A_22 = arith.constant 0 : index
    %get3A_23 = arith.constant 0 : index
    %get3A_24 = vector.load %arg6[%get3A_22, %get3A_23] : memref<128x128xf32, #tpu.memory_space<vmem>>, vector<128x128xf32>
    %dot_general3A = arith.constant dense<0.000000e+00> : vector<2000x128xf32>
    %dot_general3A_25 = tpu.matmul %max3A_21, %get3A_24, %dot_general3A {dimension_numbers = #tpu.dot_dimension_numbers<[1], [0], [0], [1], [0, 0, 1, 1], [], []>, transpose_lhs_hint = false} : vector<2000x128xf32>, vector<128x128xf32>, vector<2000x128xf32> -> vector<2000x128xf32>
    %max3A_26 = arith.constant 0.000000e+00 : f32
    %max3A_27 = vector.broadcast %max3A_26 : f32 to vector<2000x128xf32>
    %max3A_28 = arith.maximumf %sub3A_19, %max3A_27 : vector<2000x128xf32>
    %get3A_29 = arith.constant 0 : index
    %get3A_30 = arith.constant 0 : index
    %get3A_31 = vector.load %arg7[%get3A_29, %get3A_30] : memref<128x128xf32, #tpu.memory_space<vmem>>, vector<128x128xf32>
    %dot_general3A_32 = arith.constant dense<0.000000e+00> : vector<2000x128xf32>
    %dot_general3A_33 = tpu.matmul %max3A_28, %get3A_31, %dot_general3A_32 {dimension_numbers = #tpu.dot_dimension_numbers<[1], [0], [0], [1], [0, 0, 1, 1], [], []>, transpose_lhs_hint = false} : vector<2000x128xf32>, vector<128x128xf32>, vector<2000x128xf32> -> vector<2000x128xf32>
    %add3A_34 = arith.addf %dot_general3A_25, %dot_general3A_33 : vector<2000x128xf32>
    %get3A_35 = arith.constant 0 : index
    %get3A_36 = arith.constant 0 : index
    %get3A_37 = vector.load %arg8[%get3A_35, %get3A_36] : memref<128x128xf32, #tpu.memory_space<vmem>>, vector<128x128xf32>
    %dot_general3A_38 = arith.constant dense<0.000000e+00> : vector<2000x128xf32>
    %dot_general3A_39 = tpu.matmul %add3A_34, %get3A_37, %dot_general3A_38 {dimension_numbers = #tpu.dot_dimension_numbers<[1], [0], [0], [1], [0, 0, 1, 1], [], []>, transpose_lhs_hint = false} : vector<2000x128xf32>, vector<128x128xf32>, vector<2000x128xf32> -> vector<2000x128xf32>
    %max3A_40 = arith.constant 0.000000e+00 : f32
    %max3A_41 = vector.broadcast %max3A_40 : f32 to vector<2000x128xf32>
    %max3A_42 = arith.maximumf %dot_general3A_39, %max3A_41 : vector<2000x128xf32>
    %get3A_43 = arith.constant 0 : index
    %get3A_44 = arith.constant 0 : index
    %get3A_45 = vector.load %arg9[%get3A_43, %get3A_44] : memref<128x1xf32, #tpu.memory_space<vmem>>, vector<128x1xf32>
    %dot_general3A_46 = arith.constant dense<0.000000e+00> : vector<2000x1xf32>
    %dot_general3A_47 = tpu.matmul %max3A_42, %get3A_45, %dot_general3A_46 {dimension_numbers = #tpu.dot_dimension_numbers<[1], [0], [0], [1], [0, 0, 1, 1], [], []>, transpose_lhs_hint = false} : vector<2000x128xf32>, vector<128x1xf32>, vector<2000x1xf32> -> vector<2000x1xf32>
    %swap3A = arith.constant 0 : index
    %swap3A_48 = arith.constant 0 : index
    %swap3A_49 = vector.load %arg10[%swap3A, %swap3A_48] : memref<2000x1xf32, #tpu.memory_space<vmem>>, vector<2000x1xf32>
    tpu.vector_store %arg10[%swap3A, %swap3A_48], %dot_general3A_47 {strides = array<i32>} : memref<2000x1xf32, #tpu.memory_space<vmem>>, vector<2000x1xf32>,
    %reduce_sum3A = arith.constant dense<0.000000e+00> : vector<128xf32>
    %reduce_sum3A_50 = vector.multi_reduction <add>, %add3A_34, %reduce_sum3A [0] : vector<2000x128xf32> to vector<128xf32>
    %broadcast_in_dim3A = vector.shape_cast %reduce_sum3A_50 : vector<128xf32> to vector<1x128xf32>
    %eq3A = arith.constant 0 : i32
    %eq3A_51 = arith.cmpi eq, %arg0, %eq3A : i32
    %convert_element_type3A = arith.extui %eq3A_51 : i1 to i32
    %cond3A = arith.constant 0 : i32
    %cond3A_52 = arith.cmpi ne, %convert_element_type3A, %cond3A : i32
    scf.if %cond3A_52 {
      %swap3A_57 = arith.constant 0 : index
      %swap3A_58 = arith.constant 0 : index
      %swap3A_59 = vector.load %arg11[%swap3A_57, %swap3A_58] : memref<1x128xf32, #tpu.memory_space<vmem>>, vector<1x128xf32>
      tpu.vector_store %arg11[%swap3A_57, %swap3A_58], %broadcast_in_dim3A {strides = array<i32>} : memref<1x128xf32, #tpu.memory_space<vmem>>, vector<1x128xf32>,
    } else {
    }
    %gt3A = arith.constant 0 : i32
    %gt3A_53 = arith.cmpi sgt, %arg0, %gt3A : i32
    %convert_element_type3A_54 = arith.extui %gt3A_53 : i1 to i32
    %cond3A_55 = arith.constant 0 : i32
    %cond3A_56 = arith.cmpi ne, %convert_element_type3A_54, %cond3A_55 : i32
    scf.if %cond3A_56 {
      %get3A_57 = arith.constant 0 : index
      %get3A_58 = arith.constant 0 : index
      %get3A_59 = vector.load %arg11[%get3A_57, %get3A_58] : memref<1x128xf32, #tpu.memory_space<vmem>>, vector<1x128xf32>
      %add3A_60 = arith.addf %get3A_59, %broadcast_in_dim3A : vector<1x128xf32>
      %swap3A_61 = arith.constant 0 : index
      %swap3A_62 = arith.constant 0 : index
      %swap3A_63 = vector.load %arg11[%swap3A_61, %swap3A_62] : memref<1x128xf32, #tpu.memory_space<vmem>>, vector<1x128xf32>
      tpu.vector_store %arg11[%swap3A_61, %swap3A_62], %add3A_60 {strides = array<i32>} : memref<1x128xf32, #tpu.memory_space<vmem>>, vector<1x128xf32>,
    } else {
    }
    return
  }
  func.func @transform_0(%arg0: i32) -> (i32, i32) {
    %c0_i32 = arith.constant 0 : i32
    %c0_i32_0 = arith.constant 0 : i32
    return %arg0, %c0_i32 : i32, i32
  }
  func.func @transform_1(%arg0: i32) -> (i32, i32, i32) {
    %c0_i32 = arith.constant 0 : i32
    %c0_i32_0 = arith.constant 0 : i32
    %c0_i32_1 = arith.constant 0 : i32
    return %c0_i32, %arg0, %c0_i32_0 : i32, i32, i32
  }
  func.func @transform_2(%arg0: i32) -> (i32, i32, i32) {
    %c1_i32 = arith.constant 1 : i32
    %c0_i32 = arith.constant 0 : i32
    %c0_i32_0 = arith.constant 0 : i32
    return %c1_i32, %arg0, %c0_i32 : i32, i32, i32
  }
  func.func @transform_3(%arg0: i32) -> (i32, i32) {
    %c0_i32 = arith.constant 0 : i32
    %c0_i32_0 = arith.constant 0 : i32
    return %arg0, %c0_i32 : i32, i32
  }
  func.func @transform_4(%arg0: i32) -> (i32, i32) {
    %c0_i32 = arith.constant 0 : i32
    %c0_i32_0 = arith.constant 0 : i32
    return %arg0, %c0_i32 : i32, i32
  }
  func.func @transform_5(%arg0: i32) -> (i32, i32) {
    %c0_i32 = arith.constant 0 : i32
    %c0_i32_0 = arith.constant 0 : i32
    %c0_i32_1 = arith.constant 0 : i32
    return %c0_i32, %c0_i32_0 : i32, i32
  }
  func.func @transform_6(%arg0: i32) -> (i32, i32) {
    %c0_i32 = arith.constant 0 : i32
    %c0_i32_0 = arith.constant 0 : i32
    %c0_i32_1 = arith.constant 0 : i32
    return %c0_i32, %c0_i32_0 : i32, i32
  }
  func.func @transform_7(%arg0: i32) -> (i32, i32) {
    %c0_i32 = arith.constant 0 : i32
    %c0_i32_0 = arith.constant 0 : i32
    %c0_i32_1 = arith.constant 0 : i32
    return %c0_i32, %c0_i32_0 : i32, i32
  }
  func.func @transform_8(%arg0: i32) -> (i32, i32) {
    %c0_i32 = arith.constant 0 : i32
    %c0_i32_0 = arith.constant 0 : i32
    %c0_i32_1 = arith.constant 0 : i32
    return %c0_i32, %c0_i32_0 : i32, i32
  }
  func.func @transform_9(%arg0: i32) -> (i32, i32) {
    %c0_i32 = arith.constant 0 : i32
    %c0_i32_0 = arith.constant 0 : i32
    return %arg0, %c0_i32 : i32, i32
  }
  func.func @transform_10(%arg0: i32) -> (i32, i32) {
    %c0_i32 = arith.constant 0 : i32
    %c0_i32_0 = arith.constant 0 : i32
    %c0_i32_1 = arith.constant 0 : i32
    return %c0_i32, %c0_i32_0 : i32, i32
  }
}

module attributes {stable_mosaic.version = 14 : i64} {
  func.func @_b2_body(%arg0: i32, %arg1: memref<2000x1xf32, #tpu.memory_space<vmem>>, %arg2: memref<1x128xf32, #tpu.memory_space<vmem>>, %arg3: memref<128x128xf32, #tpu.memory_space<vmem>>, %arg4: memref<1x128xf32, #tpu.memory_space<vmem>>, %arg5: memref<2000x1xf32, #tpu.memory_space<vmem>>) attributes {dimension_semantics = [#tpu.dimension_semantics<arbitrary>], iteration_bounds = array<i64: 5>, scalar_prefetch = 0 : i64, scratch_operands = 0 : i64, tpu.core_type = #tpu.core_type<tc>, window_params = [{transform_indices = @transform_0, window_bounds = array<i64: 2000, 1>}, {pipeline_mode = #tpu.pipeline_mode<synchronous>, transform_indices = @transform_1, window_bounds = array<i64: 1, 128>}, {pipeline_mode = #tpu.pipeline_mode<synchronous>, transform_indices = @transform_2, window_bounds = array<i64: 128, 128>}, {pipeline_mode = #tpu.pipeline_mode<synchronous>, transform_indices = @transform_3, window_bounds = array<i64: 1, 128>}, {transform_indices = @transform_4, window_bounds = array<i64: 2000, 1>}]} {
    %get3A = arith.constant 0 : index
    %get3A_0 = arith.constant 0 : index
    %get3A_1 = vector.load %arg2[%get3A, %get3A_0] : memref<1x128xf32, #tpu.memory_space<vmem>>, vector<1x128xf32>
    %get3A_2 = arith.constant 0 : index
    %get3A_3 = arith.constant 0 : index
    %get3A_4 = vector.load %arg3[%get3A_2, %get3A_3] : memref<128x128xf32, #tpu.memory_space<vmem>>, vector<128x128xf32>
    %dot_general3A = arith.constant dense<0.000000e+00> : vector<1x128xf32>
    %dot_general3A_5 = tpu.matmul %get3A_1, %get3A_4, %dot_general3A {dimension_numbers = #tpu.dot_dimension_numbers<[1], [0], [0], [1], [0, 0, 1, 1], [], []>, transpose_lhs_hint = false} : vector<1x128xf32>, vector<128x128xf32>, vector<1x128xf32> -> vector<1x128xf32>
    %max3A = arith.constant 0.000000e+00 : f32
    %max3A_6 = vector.broadcast %max3A : f32 to vector<1x128xf32>
    %max3A_7 = arith.maximumf %dot_general3A_5, %max3A_6 : vector<1x128xf32>
    %get3A_8 = arith.constant 0 : index
    %get3A_9 = arith.constant 0 : index
    %get3A_10 = vector.load %arg4[%get3A_8, %get3A_9] : memref<1x128xf32, #tpu.memory_space<vmem>>, vector<1x128xf32>
    %mul3A = arith.mulf %max3A_7, %get3A_10 : vector<1x128xf32>
    %reduce_sum3A = vector.shape_cast %mul3A : vector<1x128xf32> to vector<1x1x128xf32>
    %reduce_sum3A_11 = arith.constant dense<0.000000e+00> : vector<1xf32>
    %reduce_sum3A_12 = vector.multi_reduction <add>, %reduce_sum3A, %reduce_sum3A_11 [1, 2] : vector<1x1x128xf32> to vector<1xf32>
    %reduce_sum3A_13 = vector.shape_cast %reduce_sum3A_12 : vector<1xf32> to vector<1x1x1xf32>
    %reduce_sum3A_14 = vector.extract %reduce_sum3A_13[0, 0, 0] : f32 from vector<1x1x1xf32>
    %get3A_15 = arith.constant 0 : index
    %get3A_16 = arith.constant 0 : index
    %get3A_17 = vector.load %arg1[%get3A_15, %get3A_16] : memref<2000x1xf32, #tpu.memory_space<vmem>>, vector<2000x1xf32>
    %add3A = vector.broadcast %reduce_sum3A_14 : f32 to vector<2000x1xf32>
    %add3A_18 = arith.addf %get3A_17, %add3A : vector<2000x1xf32>
    %swap3A = arith.constant 0 : index
    %swap3A_19 = arith.constant 0 : index
    %swap3A_20 = vector.load %arg5[%swap3A, %swap3A_19] : memref<2000x1xf32, #tpu.memory_space<vmem>>, vector<2000x1xf32>
    tpu.vector_store %arg5[%swap3A, %swap3A_19], %add3A_18 {strides = array<i32>} : memref<2000x1xf32, #tpu.memory_space<vmem>>, vector<2000x1xf32>,
    return
  }
  func.func @transform_0(%arg0: i32) -> (i32, i32) {
    %c0_i32 = arith.constant 0 : i32
    %c0_i32_0 = arith.constant 0 : i32
    return %arg0, %c0_i32 : i32, i32
  }
  func.func @transform_1(%arg0: i32) -> (i32, i32) {
    %c0_i32 = arith.constant 0 : i32
    %c0_i32_0 = arith.constant 0 : i32
    %c0_i32_1 = arith.constant 0 : i32
    return %c0_i32, %c0_i32_0 : i32, i32
  }
  func.func @transform_2(%arg0: i32) -> (i32, i32) {
    %c0_i32 = arith.constant 0 : i32
    %c0_i32_0 = arith.constant 0 : i32
    %c0_i32_1 = arith.constant 0 : i32
    return %c0_i32, %c0_i32_0 : i32, i32
  }
  func.func @transform_3(%arg0: i32) -> (i32, i32) {
    %c0_i32 = arith.constant 0 : i32
    %c0_i32_0 = arith.constant 0 : i32
    %c0_i32_1 = arith.constant 0 : i32
    return %c0_i32, %c0_i32_0 : i32, i32
  }
  func.func @transform_4(%arg0: i32) -> (i32, i32) {
    %c0_i32 = arith.constant 0 : i32
    %c0_i32_0 = arith.constant 0 : i32
    return %arg0, %c0_i32 : i32, i32
  }
}

</mosaic_0001>

<sc_bundles>
// kernel: kernel.6.cloned.1.call-start
scs
__scs_entry_jumppad:
0x0: {  	(pc) =	sbr.rel $0x88, $3  }
0x1: {  	(tag) =	ssettag $0x0;
	lr =	simm.s32 $0x1  }
0x2: {  	[smem:$0x3F97] =	sst lr;
	_ =	strace $0xD0000000  }
0x3: {  	_ = 	snop  }
0x4: {  	_ = 	snop  }
0x5: {  	_ = 	snop  }
0x6: {  	_ = 	snop  }
0x7: {  	_ = 	snop  }
__scs_overlays_trampoline_lowered:
0x8: {  	[smem:$0x3FA6] =	sst s0  }
0x9: {  	[smem:$0x3FA7] =	sst s1  }
0xa: {  	[smem:$0x3FA8] =	sst s2  }
0xb: {  	[smem:$0x3FA9] =	sst s3  }
0xc: {  	[smem:$0x3FAA] =	sst s4  }
0xd: {  	[smem:$0x3FAB] =	sst s5  }
0xe: {  	[smem:$0x3FAC] =	sst s6  }
0xf: {  	[smem:$0x3FAD] =	sst s7  }
0x10: {  	[smem:$0x3FAE] =	sst s8  }
0x11: {  	[smem:$0x3FAF] =	sst s9;
	s0 =	simm.s32 @!p0 $0x0  }
0x12: {  	s1 =	sld [smem:$0x3F95];
	s0 =	simm.s32 @p0 $0x1  }
0x13: {  	[smem:$0x3FB0] =	sst s0;
	s0 =	simm.s32 @!p1 $0x0  }
0x14: {  	s2 =	sld [smem:$0x3F94];
	s0 =	simm.s32 @p1 $0x1  }
0x15: {  	[smem:$0x3FB1] =	sst s0;
	s0 =	simm.s32 @!p2 $0x0  }
0x16: {  	s3 =	sld [smem:$0x3FDB];
	s0 =	simm.s32 @p2 $0x1  }
0x17: {  	s4 =	simm.s32 $0x1BF5;
	[smem:$0x3FB3] =	sst s0  }
0x18: {  	s0 =	sld [smem:$0x3F96];
	_ =	swait.ge [sflag:s4], $0x0  }
0x19: {  	s7 =	sld [smem:$0x3F97]  }
0x1a: {  	s8 =	sadd.s32 $0xFFFFE003, lr  }
0x1b: {  	s9 =	sadd.s32 $0xFFFFFEF7, lr;
	s5 =	simm.s32 $0xFFFFFFFF;
	p2 =	slt.u32 s8, $0xFFFFF086  }
0x1c: {  	p1 =	slt.u32 s9, $0xF7A;
	s5 =	simm.s32 @!p2 $0x0  }
0x1d: {  	s5 =	simm.s32 @p1 $0x1;
	p0 =	seq.s32 s7, s2  }
0x1e: {  	s7 =	smul.u32 @!p0 $0xF7A, s2;
	p2 =	seq.s32 @!p0 s5, $0x0  }
0x1f: {  	s9 =	smul.u32 $0xF7A, s1;
	s8 =	simm.s32 @!p0 $0x1BF5;
	p2 =	por !p2, p0  }
0x20: {  	[sflag:s8] =	ssyncset.s32 @!p0 $0xFFFFF086;
	s6 =	sadd.s32 @!p0 s3, s7;
	s7 =	simm.s32 @!p0 $0x108  }
0x21: {  	s3 =	sadd.s32 s3, s9;
	s6 =	sadd.s32 @!p0 $0x88, s6;
	s7 =	simm.s32 @p2 $0x1082  }
0x22: {  	[simem:s7], [sflag:s8] =	dma.local @!p0 [hbm:s6], $0xF7A  }
0x23: {  	s9 =	sor.u32 $0xD0000000, s2;
	s6 =	simm.s32 $0x108;
	_ =	swait.ge @!p0 [sflag:s8], $0x0  }
0x24: {  	s3 =	sadd.s32 $0x88, s3;
	s6 =	simm.s32 @!p1 $0x1082;
	[sflag:s4] =	ssyncset.s32 $0xFFFFF086  }
0x25: {  	[simem:s6], [sflag:s4] =	dma.local [hbm:s3], $0xF7A  }
0x26: {  	[smem:$0x3F97] =	sst s1;
	(tag) =	ssettag s2;
	_ =	strace s9  }
0x27: {  	s1 =	sld [smem:$0x3FA7]  }
0x28: {  	s2 =	sld [smem:$0x3FA8]  }
0x29: {  	s4 =	sld [smem:$0x3FAA]  }
0x2a: {  	p0 =	seq.s32 s5, $0x0;
	s5 =	sld [smem:$0x3FAB]  }
0x2b: {  	s6 =	sld [smem:$0x3FAC]  }
0x2c: {  	s7 =	sld [smem:$0x3FAD]  }
0x2d: {  	s3 =	simm.s32 $0x108;
	s8 =	sld [smem:$0x3FAE]  }
0x2e: {  	s3 =	simm.s32 @!p0 $0x1082;
	s9 =	sld [smem:$0x3FAF]  }
0x2f: {  	lr =	sadd.s32 s0, s3;
	s0 =	sld [smem:$0x3FA6]  }
0x30: {  	s3 =	sld [smem:$0x3FA9]  }
0x31: {  	[smem:$0x3FB2] =	sst s10  }
0x32: {  	s10 =	sld [smem:$0x3FB0];
	_ =	sdelay $0x3  }
0x33: {  	p0 =	seq.s32 s10, $0x1;
	s10 =	sld [smem:$0x3FB2];
	_ =	sdelay $0x3  }
0x34: {  	[smem:$0x3FB2] =	sst s10  }
0x35: {  	s10 =	sld [smem:$0x3FB1];
	_ =	sdelay $0x3  }
0x36: {  	p1 =	seq.s32 s10, $0x1;
	s10 =	sld [smem:$0x3FB2];
	_ =	sdelay $0x3  }
0x37: {  	[smem:$0x3FB2] =	sst s10  }
0x38: {  	s10 =	sld [smem:$0x3FB3]  }
0x39: {  	_ = 	snop;
	(pc) =	sbr.ind lr, $3  }
0x3a: {  	_ = 	snop  }
0x3b: {  	_ = 	snop  }
0x3c: {  	p2 =	seq.s32 s10, $0x1;
	s10 =	sld [smem:$0x3FB2]  }
0x3d: {  	_ =	shalt  }
0x3e: {  	_ =	shalt  }
0x3f: {  	_ =	shalt  }
0x40: {  	_ =	shalt  }
0x41: {  	_ =	shalt  }
0x42: {  	_ =	shalt  }
0x43: {  	_ =	shalt  }
0x44: {  	_ =	shalt  }
0x45: {  	_ =	shalt  }
0x46: {  	_ =	shalt  }
0x47: {  	_ =	shalt  }
0x48: {  	_ =	shalt  }
0x49: {  	_ =	shalt  }
0x4a: {  	_ =	shalt  }
0x4b: {  	_ =	shalt  }
0x4c: {  	_ =	shalt  }
0x4d: {  	_ =	shalt  }
0x4e: {  	_ =	shalt  }
0x4f: {  	_ =	shalt  }
0x50: {  	_ =	shalt  }
0x51: {  	_ =	shalt  }
0x52: {  	_ =	shalt  }
0x53: {  	_ =	shalt  }
0x54: {  	_ =	shalt  }
0x55: {  	_ =	shalt  }
0x56: {  	_ =	shalt  }
0x57: {  	_ =	shalt  }
0x58: {  	_ =	shalt  }
0x59: {  	_ =	shalt  }
0x5a: {  	_ =	shalt  }
0x5b: {  	_ =	shalt  }
0x5c: {  	_ =	shalt  }
0x5d: {  	_ =	shalt  }
0x5e: {  	_ =	shalt  }
0x5f: {  	_ =	shalt  }
0x60: {  	_ =	shalt  }
0x61: {  	_ =	shalt  }
0x62: {  	_ =	shalt  }
0x63: {  	_ =	shalt  }
0x64: {  	_ =	shalt  }
0x65: {  	_ =	shalt  }
0x66: {  	_ =	shalt  }
0x67: {  	_ =	shalt  }
0x68: {  	_ =	shalt  }
0x69: {  	_ =	shalt  }
0x6a: {  	_ =	shalt  }
0x6b: {  	_ =	shalt  }
0x6c: {  	_ =	shalt  }
0x6d: {  	_ =	shalt  }
0x6e: {  	_ =	shalt  }
0x6f: {  	_ =	shalt  }
0x70: {  	_ =	shalt  }
0x71: {  	_ =	shalt  }
0x72: {  	_ =	shalt  }
0x73: {  	_ =	shalt  }
0x74: {  	_ =	shalt  }
0x75: {  	_ =	shalt  }
0x76: {  	_ =	shalt  }
0x77: {  	_ =	shalt  }
0x78: {  	_ =	shalt  }
0x79: {  	_ =	shalt  }
0x7a: {  	_ =	shalt  }
0x7b: {  	_ =	shalt  }
0x7c: {  	_ =	shalt  }
0x7d: {  	_ =	shalt  }
0x7e: {  	_ =	shalt  }
0x7f: {  	_ =	shalt  }
0x80: {  	_ =	shalt  }
0x81: {  	_ =	shalt  }
0x82: {  	_ =	shalt  }
0x83: {  	_ =	shalt  }
0x84: {  	_ =	shalt  }
0x85: {  	_ =	shalt  }
0x86: {  	_ =	shalt  }
0x87: {  	_ =	shalt  }
.Lfunc_end0:
.L_simem_size_0:
called_computation_lowered:
.L_overlay_start_0:
0x88: {  	s2 =	sld [smem:$0x3FD9]  }
0x89: {  	s3 =	sld [smem:$0x3FFE];
	_ =	sdelay $0x1  }
0x8a: {  	s1 =	srdreg.scid  }
0x8b: {  	s0 =	sand.u32 $0x1, s1  }
0x8c: {  	s16 =	sshll.u32 s0, $0xA;
	s2 =	sadd.s32 s3, s2  }
0x8d: {  	s2 =	sadd.s32 s2, s16  }
0x8e: {  	[smem:$0x3FBE] =	sst s2  }
0x8f: {  	_ = 	snop  }
0x90: {  	(tm) =	ssettm $0x1  }
0x91: {  	s17 =	sld [smem:$0x3FFB];
	_ =	sdelay $0x3  }
0x92: {  	_ =	strace s17  }
0x93: {  	s2 =	sld [smem:$0x3FFC];
	_ =	sdelay $0x3  }
0x94: {  	_ =	strace s2  }
0x95: {  	s2 =	sld [smem:$0x3FFD];
	_ =	sdelay $0x3  }
0x96: {  	_ =	strace s2  }
0x97: {  	_ =	strace $0x8FFFFFFF  }
0x98: {  	s18 =	sld [smem:$0x3FDB];
	_ =	sdelay $0x1  }
0x99: {  	s19 =	simm.s32 $_scs_section_size  }
0x9a: {  	s4 =	simm.s32 $_size__tile_overlayer_lowered;
	s5 =	simm.s32 $_tile_overlayer_lowered  }
0x9b: {  	s22 =	simm.s32 $0x1BFF;
	s21 =	sshll.u32 s5, $0x1;
	s2 =	sadd.s32 s19, s18  }
0x9c: {  	s6 =	simm.s32 $0x0;
	s20 =	sshll.u32 s4, $0x1;
	s4 =	sadd.s32 s21, s2  }
0x9d: {  	[timem:s6], [sflag:s22] =	dma.local [hbm:s4], s20  }
0x9e: {  	_ =	swait.ge [sflag:s22], s20  }
0x9f: {  	s3 =	ssub.s32 $0x0, s20;
	[sflag:s22] =	ssyncset.done $0x0  }
0xa0: {  	[sflag:s22] =	ssyncadd.s32 s3;
	_ =	sdelay $0x1  }
0xa1: {  	s23 =	simm.s32 $0x1B8B  }
0xa2: {  	_ =	swait.ge [sflag:s23], $0x1  }
0xa3: {  	[sflag:s23] =	ssyncset.done $0x0  }
0xa4: {  	s25 =	simm.s32 $0x1B8E;
	s24 =	sld [smem:$0x3FFE];
	[sflag:s23] =	ssyncadd.s32 $0xFFFFFFFF  }
0xa5: {  	s26 =	simm.s32 $execute0_lowered;
	[smem:$0x3FD2] =	sst s25  }
0xa6: {  	s4 =	sshll.u32 s26, $0x1;
	_ =	strace $0x80000046;
	[dreg:$0x1] =	wrdreg $0xFFFFFFFF  }
0xa7: {  	s28 =	simm.s32 $_size_execute0_lowered;
	s2 =	sadd.s32 s2, s4;
	[dreg:$0x0] =	wrdreg $0x0  }
0xa8: {  	s4 =	sshll.u32 s28, $0x1;
	[dreg:$0x2] =	wrdreg s2  }
0xa9: {  	[dreg:$0x3] =	wrdreg s4  }
0xaa: {  	[dreg:$0x4] =	wrdreg $0xC0  }
0xab: {  	_ =	task [dreg:s6], $0x5FFFF  }
0xac: {  	[dreg:$0x1] =	wrdreg $0xFFFFFFFF  }
0xad: {  	[dreg:$0x0] =	wrdreg $0x60  }
0xae: {  	[dreg:$0x2] =	wrdreg s24  }
0xaf: {  	[dreg:$0x3] =	wrdreg $0x8A000  }
0xb0: {  	[dreg:$0x4] =	wrdreg $0x1C6000  }
0xb1: {  	[dreg:$0x5] =	wrdreg $0x9  }
0xb2: {  	_ =	task.clear_ibuf [dreg:s6], $0x6FFFF;
	_ =	strace $0x90000046  }
0xb3: {  	s29 =	simm.s32 $0x9;
	_ =	strace $0x80000048  }
0xb4: {  	_ =	swait.ge [sflag:s29], $0x1  }
0xb5: {  	[sflag:s29] =	ssyncadd.s32 $0xFFFFFFFF  }
0xb6: {  	_ =	strace $0x90000048  }
0xb7: {  	_ =	sfence  }
0xb8: {  	s30 =	sld [smem:$0x0];
	_ =	sdelay $0x2  }
0xb9: {  	s31 =	sshll.u32 s1, $0xD;
	s1 =	sshrl.u32 s1, $0x2  }
0xba: {  	s3 =	sand.u32 $0x4000, s31;
	s1 =	sadd.s32 s1, s30  }
0xbb: {  	s0 =	sor.u32 s3, s0;
	s1 =	sshll.u32 s1, $0x11  }
0xbc: {  	s0 =	sor.u32 s1, s0  }
0xbd: {  	s0 =	sadd.s32 $0x8F2B, s0  }
0xbe: {  	[sflag:s0] =	ssyncadd.remote.s32 $0x1  }
0xbf: {  	_ =	sfence.sel $0xFFFF  }
0xc0: {  	[dreg:$0x0] =	wrdreg $0xFFFFFFFF;
	(pc) =	sbr.abs _section_cstart, $3  }
0xc1: {  	[dreg:$0x1] =	wrdreg $0xFFFFFFFF  }
0xc2: {  	_ =	task.clear_ibuf [dreg:s6], $0x2FFFF;
	_ =	strace $0x9FFFFFFF  }
0xc3: {  	(tm) =	ssettm $0x7FFFFFFF  }
tec
execute0_lowered:
.L_overlay_start_1:
0x0: {  	(tag) =	ssettag $0x1  }
0x1: {  	s0 =	rddreg [dreg:$0x0]  }
0x2: {  	s2 =	rddreg [dreg:$0x1];
	s1 =	srdreg.scid  }
0x3: {  	s16 =	stileid.u32;
	s3 =	rddreg [dreg:$0x2]  }
0x4: {  	s4 =	simm.s32 $0x0;
	s28 =	simm.s32 $0x100;
	s8 =	smul.u32 $0x280, s16  }
0x5: {  	s29 =	simm.s32 $0x300;
	s30 =	simm.s32 $0x180;
	s22 =	smul.u32 $0x4F000, s16  }
0x6: {  	s31 =	simm.s32 $0x4300;
	s1 =	sand.u32 $0x1, s1;
	s12 =	smul.u32 $0x13C00, s16  }
0x7: {  	[smem:$0x7FF] =	sst s4;
	s6 =	sadd.s32 $0xC800, s0;
	s19 =	smul.u32 $0x4F00, s16  }
0x8: {  	s9 =	sadd.s32 $0x34400, s0;
	s11 =	sshll.u32 s16, $0x1;
	s5 =	smul.u32 $0x2800, s1  }
0x9: {  	_ =	strace $0x80000047;
	s10 =	ssub.s32 $0x2, s1;
	s14 =	smul.u32 $0x13C000, s1  }
0xa: {  	s11 =	sor.u32 s1, s11;
	s1 =	smul.u32 $0x2780, s1;
	s13 =	sshrl.u32 s10, $0x1  }
0xb: {  	s11 =	smul.u32 $0x2780, s11;
	s15 =	sadd.s32 $0x10000, s12;
	s26 =	sadd.s32 $0x4000, s12  }
0xc: {  	s20 =	sadd.s32 $0x8000, s12;
	s7 =	sadd.s32 s8, s5;
	s5 =	sadd.s32 $0x2A00, s0  }
0xd: {  	s10 =	ssub.s32 s10, s13;
	s23 =	sadd.s32 s14, s15;
	s8 =	sadd.s32 s8, s3  }
0xe: {  	s25 =	sadd.s32 s14, s12;
	s17 =	sadd.s32 s15, s2;
	s18 =	sadd.s32 s14, s26  }
0xf: {  	s21 =	sadd.s32 s26, s2;
	s12 =	sadd.s32 $0xC000, s12;
	s1 =	sadd.s32 s1, s19  }
0x10: {  	s19 =	simm.s32 $0x8380;
	s7 =	sshrl.u32 s7, $0x3;
	s11 =	sshrl.u32 s11, $0x3  }
0x11: {  	s13 =	sshrl.u32 s23, $0x3;
	s10 =	smax.u32 s10, $0x1;
	s26 =	sadd.s32 s12, s2  }
0x12: {  	s0 =	sadd.s32 s7, s0;
	s7 =	sshrl.u32 s22, $0x2;
	s11 =	sadd.s32 s5, s11  }
0x13: {  	s24 =	sadd.s32 s9, s13;
	[dreg:$0x8] =	wrdreg s10;
	s22 =	sadd.s32 s14, s20  }
0x14: {  	s14 =	sadd.s32 s14, s12;
	s10 =	simm.s32 $0x280;
	[dreg:$0x4] =	wrdreg s11  }
0x15: {  	s7 =	sadd.s32 s7, s2;
	[dreg:$0x5] =	wrdreg s24;
	s11 =	sshrl.u32 s25, $0x3  }
0x16: {  	s0 =	sadd.s32 $0x33A00, s0;
	s13 =	sshrl.u32 s22, $0x3;
	s23 =	sshrl.u32 s14, $0x3  }
0x17: {  	s24 =	sadd.s32 $0x80, s1;
	s22 =	sshrl.u32 s21, $0x3;
	s21 =	simm.s32 $0x200  }
0x18: {  	[dreg:$0x6] =	wrdreg s0;
	s15 =	sadd.s32 s9, s11;
	s0 =	sshrl.u32 s18, $0x3  }
0x19: {  	s16 =	sadd.s32 s9, s23;
	s25 =	sshrl.u32 s24, $0x3;
	s24 =	sshrl.u32 s26, $0x3  }
0x1a: {  	s26 =	simm.s32 $0x80;
	s11 =	simm.s32 $0x0;
	[dreg:$0x7] =	wrdreg s15  }
0x1b: {  	s0 =	sadd.s32 s9, s0;
	s15 =	sadd.s32 s9, s13;
	s13 =	sadd.s32 $0x100, s1  }
0x1c: {  	s18 =	sadd.s32 s25, s5;
	s25 =	sshrl.u32 s17, $0x3;
	s1 =	simm.s32 $0x1  }
0x1d: {  	s9 =	simm.s32 $0x2;
	[dreg:$0x9] =	wrdreg s0;
	s0 =	sadd.s32 s20, s2  }
0x1e: {  	v0 =	vimm.f32 $0.0e+00;
	v1 =	vimm.f32 $1.000000000e+00;
	s20 =	simm.s32 $0x3;
	s23 =	sshrl.u32 s0, $0x3;
	s0 =	simm.s32 $0x8300  }
.LBB2_1:
0x1f: {  	[tilespmem:$0x8380] =	vst v0  }
0x20: {  	[tilespmem:$0x8390] =	vst v0  }
0x21: {  	[tilespmem:$0x83A0] =	vst v0  }
0x22: {  	[tilespmem:$0x83B0] =	vst v0  }
0x23: {  	[tilespmem:$0x83C0] =	vst v0  }
0x24: {  	[tilespmem:$0x83D0] =	vst v0  }
0x25: {  	[tilespmem:$0x83E0] =	vst v0  }
0x26: {  	[tilespmem:$0x83F0] =	vst v0  }
0x27: {  	[tilespmem:$0x8400] =	vst v0  }
0x28: {  	[tilespmem:$0x8410] =	vst v0  }
0x29: {  	[tilespmem:$0x8420] =	vst v0  }
0x2a: {  	[tilespmem:$0x8430] =	vst v0  }
0x2b: {  	[tilespmem:$0x8440] =	vst v0  }
0x2c: {  	[tilespmem:$0x8450] =	vst v0  }
0x2d: {  	[tilespmem:$0x8460] =	vst v0  }
0x2e: {  	[tilespmem:$0x8470] =	vst v0  }
0x2f: {  	[tilespmem:$0x8480] =	vst v0  }
0x30: {  	[tilespmem:$0x8490] =	vst v0  }
0x31: {  	[tilespmem:$0x84A0] =	vst v0  }
0x32: {  	[tilespmem:$0x84B0] =	vst v0  }
0x33: {  	[tilespmem:$0x84C0] =	vst v0  }
0x34: {  	[tilespmem:$0x84D0] =	vst v0  }
0x35: {  	[tilespmem:$0x84E0] =	vst v0  }
0x36: {  	[tilespmem:$0x84F0] =	vst v0  }
0x37: {  	[tilespmem:$0x8500] =	vst v0  }
0x38: {  	[tilespmem:$0x8510] =	vst v0  }
0x39: {  	[tilespmem:$0x8520] =	vst v0  }
0x3a: {  	[tilespmem:$0x8530] =	vst v0  }
0x3b: {  	[tilespmem:$0x8540] =	vst v0  }
0x3c: {  	[tilespmem:$0x8550] =	vst v0  }
0x3d: {  	[tilespmem:$0x8560] =	vst v0  }
0x3e: {  	[tilespmem:$0x8570] =	vst v0  }
0x3f: {  	[tilespmem:$0x8580] =	vst v0  }
0x40: {  	[tilespmem:$0x8590] =	vst v0  }
0x41: {  	[tilespmem:$0x85A0] =	vst v0  }
0x42: {  	[tilespmem:$0x85B0] =	vst v0  }
0x43: {  	[tilespmem:$0x85C0] =	vst v0  }
0x44: {  	[tilespmem:$0x85D0] =	vst v0  }
0x45: {  	[tilespmem:$0x85E0] =	vst v0  }
0x46: {  	[tilespmem:$0x85F0] =	vst v0  }
0x47: {  	[tilespmem:$0x8600] =	vst v0  }
0x48: {  	[tilespmem:$0x8610] =	vst v0  }
0x49: {  	[tilespmem:$0x8620] =	vst v0  }
0x4a: {  	[tilespmem:$0x8630] =	vst v0  }
0x4b: {  	[tilespmem:$0x8640] =	vst v0  }
0x4c: {  	[tilespmem:$0x8650] =	vst v0  }
0x4d: {  	[tilespmem:$0x8660] =	vst v0  }
0x4e: {  	[tilespmem:$0x8670] =	vst v0  }
0x4f: {  	[tilespmem:$0x8680] =	vst v0  }
0x50: {  	[tilespmem:$0x8690] =	vst v0  }
0x51: {  	[tilespmem:$0x86A0] =	vst v0  }
0x52: {  	[tilespmem:$0x86B0] =	vst v0  }
0x53: {  	[tilespmem:$0x86C0] =	vst v0  }
0x54: {  	[tilespmem:$0x86D0] =	vst v0  }
0x55: {  	[tilespmem:$0x86E0] =	vst v0  }
0x56: {  	[tilespmem:$0x86F0] =	vst v0  }
0x57: {  	[tilespmem:$0x8700] =	vst v0  }
0x58: {  	[tilespmem:$0x8710] =	vst v0  }
0x59: {  	[tilespmem:$0x8720] =	vst v0  }
0x5a: {  	[tilespmem:$0x8730] =	vst v0  }
0x5b: {  	[tilespmem:$0x8740] =	vst v0  }
0x5c: {  	[tilespmem:$0x8750] =	vst v0  }
0x5d: {  	[tilespmem:$0x8760] =	vst v0  }
0x5e: {  	[tilespmem:$0x8770] =	vst v0  }
0x5f: {  	[tilespmem:$0x8300] =	vst v1  }
0x60: {  	[tilespmem:$0x8310] =	vst v1  }
0x61: {  	[tilespmem:$0x8320] =	vst v1  }
0x62: {  	[tilespmem:$0x8330] =	vst v1  }
0x63: {  	[tilespmem:$0x8340] =	vst v1  }
0x64: {  	[tilespmem:$0x8350] =	vst v1  }
0x65: {  	[tilespmem:$0x8360] =	vst v1  }
0x66: {  	[tilespmem:$0x8370] =	vst v1;
	s12 =	sadd.s32 $0x0, s7  }
0x67: {  	[spmem:s12] =	stream.linear.scatter [tilespmem:s19], [sflag:$0x3], $0x400, $0x38;
	[tilespmem:$0x1C880] =	vst v63  }
0x68: {  	s12 =	simm.s32 $0x1000;
	_ =	swait.ge [sflag:s20], $0x400  }
.LBB2_2:
0x69: {  	s14 =	sshra.s32 s12, $0x2;
	[sflag:s20] =	ssyncset.done $0x0;
	p0 =	sne.s32 s12, $0x4E000  }
.Ltmp0:
0x6a: {  	s14 =	sadd.s32 s14, s7;
	[sflag:s20] =	ssyncadd.s32 $0xFFFFFC00;
	(pc) =	sbr.rel @p0 .LBB2_2-.Ltmp0, $3  }
0x6b: {  	[spmem:s14] =	stream.linear.scatter [tilespmem:s19], [sflag:$0x3], $0x400, $0x38;
	[tilespmem:$0x1C880] =	vst v63  }
0x6c: {  	s12 =	sadd.s32 $0x1000, s12;
	_ =	sdelay $0x1  }
0x6d: {  	_ =	swait.ge [sflag:s20], $0x400  }
0x6e: {  	[sflag:s20] =	ssyncset.done $0x0  }
0x6f: {  	[sflag:s20] =	ssyncadd.s32 $0xFFFFFC00  }
0x70: {  	[tilespmem:$0x8780] =	vst v0  }
0x71: {  	[tilespmem:$0x8790] =	vst v0  }
0x72: {  	[tilespmem:$0x87A0] =	vst v0  }
0x73: {  	[tilespmem:$0x87B0] =	vst v0  }
0x74: {  	[tilespmem:$0x87C0] =	vst v0  }
0x75: {  	[tilespmem:$0x87D0] =	vst v0  }
0x76: {  	[tilespmem:$0x87E0] =	vst v0  }
0x77: {  	[tilespmem:$0x87F0] =	vst v0  }
0x78: {  	[tilespmem:$0x8800] =	vst v0  }
0x79: {  	[tilespmem:$0x8810] =	vst v0  }
0x7a: {  	[tilespmem:$0x8820] =	vst v0  }
0x7b: {  	[tilespmem:$0x8830] =	vst v0  }
0x7c: {  	[tilespmem:$0x8840] =	vst v0  }
0x7d: {  	[tilespmem:$0x8850] =	vst v0  }
0x7e: {  	[tilespmem:$0x8860] =	vst v0  }
0x7f: {  	[tilespmem:$0x8870] =	vst v0  }
0x80: {  	[tilespmem:$0x8880] =	vst v0  }
0x81: {  	[tilespmem:$0x8890] =	vst v0  }
0x82: {  	[tilespmem:$0x88A0] =	vst v0  }
0x83: {  	[tilespmem:$0x88B0] =	vst v0  }
0x84: {  	[tilespmem:$0x88C0] =	vst v0  }
0x85: {  	[tilespmem:$0x88D0] =	vst v0  }
0x86: {  	[tilespmem:$0x88E0] =	vst v0  }
0x87: {  	[tilespmem:$0x88F0] =	vst v0  }
0x88: {  	[tilespmem:$0x8900] =	vst v0  }
0x89: {  	[tilespmem:$0x8910] =	vst v0  }
0x8a: {  	[tilespmem:$0x8920] =	vst v0  }
0x8b: {  	[tilespmem:$0x8930] =	vst v0  }
0x8c: {  	[tilespmem:$0x8940] =	vst v0  }
0x8d: {  	[tilespmem:$0x8950] =	vst v0  }
0x8e: {  	[tilespmem:$0x8960] =	vst v0  }
0x8f: {  	[tilespmem:$0x8970] =	vst v0  }
0x90: {  	[tilespmem:$0x8980] =	vst v0  }
0x91: {  	[tilespmem:$0x8990] =	vst v0  }
0x92: {  	[tilespmem:$0x89A0] =	vst v0  }
0x93: {  	[tilespmem:$0x89B0] =	vst v0  }
0x94: {  	[tilespmem:$0x89C0] =	vst v0  }
0x95: {  	[tilespmem:$0x89D0] =	vst v0  }
0x96: {  	[tilespmem:$0x89E0] =	vst v0  }
0x97: {  	s12 =	simm.s32 $0x8780;
	[tilespmem:$0x89F0] =	vst v0  }
0x98: {  	[spmem:s8] =	stream.linear.scatter [tilespmem:s12], [sflag:$0x3], $0x280, $0x38;
	[tilespmem:$0x1C880] =	vst v63  }
0x99: {  	_ =	swait.ge [sflag:s20], $0x280  }
0x9a: {  	[sflag:s20] =	ssyncset.done $0x0  }
0x9b: {  	[sflag:s20] =	ssyncadd.s32 $0xFFFFFD80  }
0x9c: {  	[bflag:$0x0] =	sbarrier.arrive $0xFFFF  }
0x9d: {  	s17 =	simm.s32 $0x0;
	s14 =	rddreg [dreg:$0x4]  }
0x9e: {  	[tilespmem:s17], [sflag:$0x3] =	stream.linear.gather [hbm4b:s14+s17], $0x80, $0x38;
	[tilespmem:$0x1C880] =	vst v63  }
0x9f: {  	_ =	swait.ge [sflag:s20], $0x80  }
0xa0: {  	[sflag:s20] =	ssyncset.done $0x0  }
0xa1: {  	[sflag:s20] =	ssyncadd.s32 $0xFFFFFF80  }
0xa2: {  	v2 =	vld [tilespmem:$0x0];
	_ =	sdelay $0x1  }
0xa3: {  	v3 =	vld [tilespmem:$0x10];
	_ =	sdelay $0x1  }
0xa4: {  	v4 =	vld [tilespmem:$0x20]  }
0xa5: {  	v5 =	vshra.s32 v2, $0x10  }
0xa6: {  	v2 =	vand.u32 $0xFFFF, v2;
	[tilespmem:$0x100] =	vst v5;
	v5 =	vld [tilespmem:$0x30]  }
0xa7: {  	[tilespmem:$0x200] =	vst v2;
	v2 =	vshra.s32 v3, $0x10  }
0xa8: {  	[tilespmem:$0x110] =	vst v2;
	v2 =	vand.u32 $0xFFFF, v3;
	v3 =	vld [tilespmem:$0x40]  }
0xa9: {  	[tilespmem:$0x210] =	vst v2;
	v2 =	vshra.s32 v4, $0x10  }
0xaa: {  	[tilespmem:$0x120] =	vst v2;
	v2 =	vand.u32 $0xFFFF, v4;
	v4 =	vld [tilespmem:$0x50]  }
0xab: {  	[tilespmem:$0x220] =	vst v2;
	v2 =	vshra.s32 v5, $0x10  }
0xac: {  	[tilespmem:$0x130] =	vst v2;
	v2 =	vand.u32 $0xFFFF, v5;
	v5 =	vld [tilespmem:$0x60]  }
0xad: {  	[tilespmem:$0x230] =	vst v2;
	v2 =	vshra.s32 v3, $0x10  }
0xae: {  	[tilespmem:$0x140] =	vst v2;
	v2 =	vand.u32 $0xFFFF, v3;
	v3 =	vld [tilespmem:$0x70]  }
0xaf: {  	[tilespmem:$0x240] =	vst v2;
	v2 =	vshra.s32 v4, $0x10  }
0xb0: {  	[tilespmem:$0x150] =	vst v2;
	v2 =	vand.u32 $0xFFFF, v4  }
0xb1: {  	[tilespmem:$0x250] =	vst v2;
	v2 =	vshra.s32 v5, $0x10  }
0xb2: {  	[tilespmem:$0x160] =	vst v2;
	v2 =	vand.u32 $0xFFFF, v5  }
0xb3: {  	[tilespmem:$0x260] =	vst v2;
	v2 =	vshra.s32 v3, $0x10  }
0xb4: {  	[tilespmem:$0x170] =	vst v2;
	v2 =	vand.u32 $0xFFFF, v3  }
0xb5: {  	[tilespmem:$0x270] =	vst v2  }
0xb6: {  	[tilespmem:s29], [sflag:$0x1] =	stream.indirect.gather [hbm4b:s6+s26], $0x80, s28, s26, $0xb8;
	[tilespmem:$0x1C880] =	vst v63  }
0xb7: {  	s14 =	sadd.s32 $0x0, s18  }
0xb8: {  	[tilespmem:s26], [sflag:$0x3] =	stream.linear.gather [hbm4b:s14+s4], $0x80, $0x38;
	[tilespmem:$0x1C880] =	vst v63  }
0xb9: {  	_ =	swait.ge [sflag:s20], $0x80  }
0xba: {  	[sflag:s20] =	ssyncset.done $0x0  }
0xbb: {  	[sflag:s20] =	ssyncadd.s32 $0xFFFFFF80  }
0xbc: {  	v2 =	vld [tilespmem:$0xF0];
	_ =	sdelay $0x1  }
0xbd: {  	v7 =	vld [tilespmem:$0x90]  }
0xbe: {  	v3 =	vld [tilespmem:$0xE0]  }
0xbf: {  	v4 =	vld [tilespmem:$0xB0]  }
0xc0: {  	v6 =	vshra.s32 v2, $0x10  }
0xc1: {  	v2 =	vand.u32 $0xFFFF, v2;
	[tilespmem:$0x1F0] =	vst v6  }
0xc2: {  	v5 =	vld [tilespmem:$0x80];
	v8 =	vand.u32 $0xFFFF, v7;
	[tilespmem:$0x2F0] =	vst v2  }
0xc3: {  	v6 =	vshra.s32 v3, $0x10;
	[tilespmem:$0x290] =	vst v8  }
0xc4: {  	v2 =	vshra.s32 v4, $0x10;
	[tilespmem:$0x1E0] =	vst v6  }
0xc5: {  	v4 =	vand.u32 $0xFFFF, v4;
	[tilespmem:$0x1B0] =	vst v2;
	v2 =	vld [tilespmem:$0xA0]  }
0xc6: {  	v3 =	vand.u32 $0xFFFF, v3;
	[tilespmem:$0x2B0] =	vst v4;
	v4 =	vld [tilespmem:$0xC0]  }
0xc7: {  	v6 =	vshra.s32 v5, $0x10;
	[tilespmem:$0x2E0] =	vst v3  }
0xc8: {  	v5 =	vand.u32 $0xFFFF, v5;
	[tilespmem:$0x180] =	vst v6  }
0xc9: {  	v3 =	vld [tilespmem:$0xD0];
	v6 =	vshra.s32 v7, $0x10;
	[tilespmem:$0x280] =	vst v5  }
0xca: {  	[tilespmem:$0x190] =	vst v6;
	v6 =	vand.u32 $0xFFFF, v2  }
0xcb: {  	v5 =	vand.u32 $0xFFFF, v4;
	[tilespmem:$0x2A0] =	vst v6  }
0xcc: {  	v2 =	vshra.s32 v2, $0x10;
	[tilespmem:$0x2C0] =	vst v5  }
0xcd: {  	v4 =	vshra.s32 v4, $0x10;
	[tilespmem:$0x1A0] =	vst v2  }
0xce: {  	v2 =	vshra.s32 v3, $0x10;
	[tilespmem:$0x1C0] =	vst v4  }
0xcf: {  	v3 =	vand.u32 $0xFFFF, v3;
	[tilespmem:$0x1D0] =	vst v2  }
0xd0: {  	[tilespmem:$0x2D0] =	vst v3  }
0xd1: {  	[tilespmem:s31], [sflag:$0x2] =	stream.indirect.gather [hbm4b:s6+s26], $0x80, s30, s26, $0xb8;
	[tilespmem:$0x1C880] =	vst v63  }
0xd2: {  	_ =	swait.ge [sflag:s1], $0x4000  }
0xd3: {  	[sflag:s1] =	ssyncset.done $0x0  }
0xd4: {  	[sflag:s1] =	ssyncadd.s32 $0xFFFFC000  }
0xd5: {  	[spmem:s2] =	stream.indirect.scatter.add.f32 [tilespmem:s29], [sflag:$0x3], $0x80, s21, s26, $0xb8;
	[tilespmem:$0x1C880] =	vst v63  }
0xd6: {  	_ =	swait.ge [sflag:s20], $0x4000  }
0xd7: {  	[sflag:s20] =	ssyncset.done $0x0  }
0xd8: {  	[sflag:s20] =	ssyncadd.s32 $0xFFFFC000  }
0xd9: {  	[spmem:s3] =	stream.indirect.scatter.add.f32 [tilespmem:s0], [sflag:$0x3], $0x1, s21, s26, $0xb8;
	[tilespmem:$0x1C880] =	vst v63  }
0xda: {  	_ =	swait.ge [sflag:s20], $0x80  }
0xdb: {  	s17 =	sshrl.u32 s13, $0x3;
	[sflag:s20] =	ssyncset.done $0x0  }
0xdc: {  	s12 =	sadd.s32 s5, s17;
	[sflag:s20] =	ssyncadd.s32 $0xFFFFFF80  }
0xdd: {  	[tilespmem:s4], [sflag:$0x3] =	stream.linear.gather [hbm4b:s12+s4], $0x80, $0x38;
	[tilespmem:$0x1C880] =	vst v63  }
0xde: {  	_ =	swait.ge [sflag:s20], $0x80  }
0xdf: {  	[sflag:s20] =	ssyncset.done $0x0  }
0xe0: {  	[sflag:s20] =	ssyncadd.s32 $0xFFFFFF80  }
0xe1: {  	v4 =	vld [tilespmem:$0x0]  }
0xe2: {  	v3 =	vld [tilespmem:$0x10]  }
0xe3: {  	s17 =	smov.u32 s13;
	s12 =	simm.s32 $0x20;
	v2 =	vld [tilespmem:$0x20]  }
.LBB2_4:
0xe4: {  	p0 =	sne.s32 s12, $0x4C0  }
0xe5: {  	v5 =	vld [tilespmem:$0x30];
	s17 =	sadd.s32 $0x100, s17;
	s14 =	smov.u32 s12;
	s12 =	sadd.s32 $0x20, s12  }
0xe6: {  	v6 =	vld [tilespmem:$0x40]  }
0xe7: {  	v7 =	vshra.s32 v4, $0x10;
	v4 =	vand.u32 $0xFFFF, v4;
	v8 =	vld [tilespmem:$0x50]  }
0xe8: {  	[tilespmem:$0x100] =	vst v7;
	v7 =	vshra.s32 v3, $0x10;
	v3 =	vand.u32 $0xFFFF, v3;
	v9 =	vld [tilespmem:$0x60]  }
0xe9: {  	[tilespmem:$0x110] =	vst v7;
	v7 =	vshra.s32 v2, $0x10;
	v2 =	vand.u32 $0xFFFF, v2;
	v10 =	vld [tilespmem:$0x70]  }
0xea: {  	[tilespmem:$0x120] =	vst v7;
	v7 =	vshra.s32 v5, $0x10;
	v5 =	vand.u32 $0xFFFF, v5  }
0xeb: {  	[tilespmem:$0x130] =	vst v7;
	v7 =	vshra.s32 v6, $0x10  }
0xec: {  	[tilespmem:$0x200] =	vst v4;
	v4 =	vand.u32 $0xFFFF, v6;
	v6 =	vshra.s32 v8, $0x10  }
0xed: {  	[tilespmem:$0x210] =	vst v3;
	v3 =	vshra.s32 v9, $0x10;
	v9 =	vand.u32 $0xFFFF, v9  }
0xee: {  	[tilespmem:$0x240] =	vst v4;
	v4 =	vshra.s32 v10, $0x10  }
0xef: {  	[tilespmem:$0x160] =	vst v3  }
0xf0: {  	v3 =	vand.u32 $0xFFFF, v8;
	v8 =	vand.u32 $0xFFFF, v10;
	[tilespmem:$0x260] =	vst v9  }
0xf1: {  	[tilespmem:$0x230] =	vst v5  }
0xf2: {  	[tilespmem:$0x220] =	vst v2  }
0xf3: {  	[tilespmem:$0x150] =	vst v6  }
0xf4: {  	[tilespmem:$0x250] =	vst v3  }
0xf5: {  	[tilespmem:$0x270] =	vst v8  }
0xf6: {  	[tilespmem:$0x140] =	vst v7  }
0xf7: {  	[tilespmem:$0x170] =	vst v4  }
0xf8: {  	[tilespmem:s29], [sflag:$0x1] =	stream.indirect.gather [hbm4b:s6+s26], $0x80, s28, s26, $0xb8;
	[tilespmem:$0x1C880] =	vst v63  }
0xf9: {  	_ =	swait.ge [sflag:s9], $0x4000  }
0xfa: {  	[sflag:s9] =	ssyncset.done $0x0  }
0xfb: {  	[sflag:s9] =	ssyncadd.s32 $0xFFFFC000  }
0xfc: {  	[spmem:s2] =	stream.indirect.scatter.add.f32 [tilespmem:s31], [sflag:$0x3], $0x80, s10, s26, $0xb8;
	[tilespmem:$0x1C880] =	vst v63  }
0xfd: {  	_ =	swait.ge [sflag:s20], $0x4000  }
0xfe: {  	[sflag:s20] =	ssyncset.done $0x0  }
0xff: {  	[sflag:s20] =	ssyncadd.s32 $0xFFFFC000  }
0x100: {  	[spmem:s3] =	stream.indirect.scatter.add.f32 [tilespmem:s0], [sflag:$0x3], $0x1, s10, s26, $0xb8;
	[tilespmem:$0x1C880] =	vst v63  }
0x101: {  	_ =	swait.ge [sflag:s20], $0x80  }
0x102: {  	[sflag:s20] =	ssyncset.done $0x0  }
0x103: {  	s14 =	sadd.s32 s14, s18;
	[sflag:s20] =	ssyncadd.s32 $0xFFFFFF80  }
0x104: {  	[tilespmem:s26], [sflag:$0x3] =	stream.linear.gather [hbm4b:s14+s4], $0x80, $0x38;
	[tilespmem:$0x1C880] =	vst v63  }
0x105: {  	_ =	swait.ge [sflag:s20], $0x80  }
0x106: {  	[sflag:s20] =	ssyncset.done $0x0  }
0x107: {  	[sflag:s20] =	ssyncadd.s32 $0xFFFFFF80  }
0x108: {  	v2 =	vld [tilespmem:$0xF0]  }
0x109: {  	v3 =	vld [tilespmem:$0xE0]  }
0x10a: {  	v4 =	vld [tilespmem:$0xB0]  }
0x10b: {  	v5 =	vld [tilespmem:$0x80]  }
0x10c: {  	v6 =	vld [tilespmem:$0xA0]  }
0x10d: {  	v7 =	vld [tilespmem:$0x90];
	v8 =	vshra.s32 v2, $0x10;
	v2 =	vand.u32 $0xFFFF, v2  }
0x10e: {  	v9 =	vld [tilespmem:$0xC0];
	v10 =	vshra.s32 v3, $0x10;
	v3 =	vand.u32 $0xFFFF, v3;
	[tilespmem:$0x1F0] =	vst v8  }
0x10f: {  	v8 =	vshra.s32 v4, $0x10;
	v4 =	vand.u32 $0xFFFF, v4;
	v11 =	vld [tilespmem:$0xD0];
	[tilespmem:$0x2F0] =	vst v2  }
0x110: {  	v2 =	vshra.s32 v5, $0x10;
	v5 =	vand.u32 $0xFFFF, v5;
	[tilespmem:$0x1E0] =	vst v10  }
0x111: {  	v10 =	vshra.s32 v6, $0x10;
	v6 =	vand.u32 $0xFFFF, v6;
	[tilespmem:$0x1B0] =	vst v8  }
0x112: {  	v8 =	vshra.s32 v7, $0x10;
	v7 =	vand.u32 $0xFFFF, v7;
	[tilespmem:$0x2B0] =	vst v4  }
0x113: {  	[tilespmem:$0x180] =	vst v2;
	v2 =	vshra.s32 v9, $0x10;
	v4 =	vand.u32 $0xFFFF, v9  }
0x114: {  	[tilespmem:$0x290] =	vst v7;
	v7 =	vshra.s32 v11, $0x10;
	v9 =	vand.u32 $0xFFFF, v11  }
0x115: {  	[tilespmem:$0x2E0] =	vst v3  }
0x116: {  	[tilespmem:$0x190] =	vst v8  }
0x117: {  	[tilespmem:$0x280] =	vst v5  }
0x118: {  	[tilespmem:$0x2A0] =	vst v6  }
0x119: {  	[tilespmem:$0x2C0] =	vst v4  }
0x11a: {  	[tilespmem:$0x1A0] =	vst v10  }
0x11b: {  	[tilespmem:$0x1C0] =	vst v2  }
0x11c: {  	[tilespmem:$0x1D0] =	vst v7  }
0x11d: {  	[tilespmem:$0x2D0] =	vst v9  }
0x11e: {  	[tilespmem:s31], [sflag:$0x2] =	stream.indirect.gather [hbm4b:s6+s26], $0x80, s30, s26, $0xb8;
	[tilespmem:$0x1C880] =	vst v63  }
0x11f: {  	_ =	swait.ge [sflag:s1], $0x4000  }
0x120: {  	[sflag:s1] =	ssyncset.done $0x0  }
0x121: {  	[sflag:s1] =	ssyncadd.s32 $0xFFFFC000  }
0x122: {  	[spmem:s2] =	stream.indirect.scatter.add.f32 [tilespmem:s29], [sflag:$0x3], $0x80, s21, s26, $0xb8;
	[tilespmem:$0x1C880] =	vst v63  }
0x123: {  	_ =	swait.ge [sflag:s20], $0x4000  }
0x124: {  	[sflag:s20] =	ssyncset.done $0x0  }
0x125: {  	[sflag:s20] =	ssyncadd.s32 $0xFFFFC000  }
0x126: {  	[spmem:s3] =	stream.indirect.scatter.add.f32 [tilespmem:s0], [sflag:$0x3], $0x1, s21, s26, $0xb8;
	[tilespmem:$0x1C880] =	vst v63  }
0x127: {  	_ =	swait.ge [sflag:s20], $0x80  }
0x128: {  	s14 =	sshrl.u32 s17, $0x3;
	[sflag:s20] =	ssyncset.done $0x0  }
0x129: {  	s14 =	sadd.s32 s5, s14;
	[sflag:s20] =	ssyncadd.s32 $0xFFFFFF80  }
0x12a: {  	[tilespmem:s4], [sflag:$0x3] =	stream.linear.gather [hbm4b:s14+s4], $0x80, $0x38;
	[tilespmem:$0x1C880] =	vst v63  }
0x12b: {  	_ =	swait.ge [sflag:s20], $0x80  }
.Ltmp1:
0x12c: {  	[sflag:s20] =	ssyncset.done $0x0;
	(pc) =	sbr.rel @p0 .LBB2_4-.Ltmp1, $4  }
0x12d: {  	[sflag:s20] =	ssyncadd.s32 $0xFFFFFF80  }
0x12e: {  	v4 =	vld [tilespmem:$0x0]  }
0x12f: {  	v3 =	vld [tilespmem:$0x10]  }
0x130: {  	v2 =	vld [tilespmem:$0x20]  }
0x131: {  	_ =	sdelay $0x1  }
0x132: {  	v6 =	vshra.s32 v4, $0x10  }
0x133: {  	v5 =	vld [tilespmem:$0x30];
	v60 =	vand.u32 $0xFFFF, v4;
	[tilespmem:$0x100] =	vst v6  }
0x134: {  	v7 =	vld [tilespmem:$0x40];
	v57 =	vshra.s32 v3, $0x10;
	[tilespmem:$0x200] =	vst v60  }
0x135: {  	v8 =	vld [tilespmem:$0x60];
	v3 =	vand.u32 $0xFFFF, v3;
	[tilespmem:$0x110] =	vst v57  }
0x136: {  	v58 =	vshra.s32 v2, $0x10;
	[tilespmem:$0x210] =	vst v3  }
0x137: {  	v61 =	vld [tilespmem:$0x50];
	v2 =	vand.u32 $0xFFFF, v2;
	[tilespmem:$0x120] =	vst v58  }
0x138: {  	v59 =	vshra.s32 v5, $0x10;
	[tilespmem:$0x220] =	vst v2  }
0x139: {  	v62 =	vand.u32 $0xFFFF, v7;
	[tilespmem:$0x130] =	vst v59  }
0x13a: {  	v3 =	vshra.s32 v8, $0x10;
	[tilespmem:$0x240] =	vst v62  }
0x13b: {  	v63 =	vld [tilespmem:$0x70];
	v8 =	vand.u32 $0xFFFF, v8;
	[tilespmem:$0x160] =	vst v3  }
0x13c: {  	v2 =	vand.u32 $0xFFFF, v61;
	[tilespmem:$0x260] =	vst v8  }
0x13d: {  	v3 =	vand.u32 $0xFFFF, v5;
	[tilespmem:$0x250] =	vst v2  }
0x13e: {  	v2 =	vshra.s32 v7, $0x10;
	[tilespmem:$0x230] =	vst v3  }
0x13f: {  	v3 =	vshra.s32 v61, $0x10;
	[tilespmem:$0x140] =	vst v2  }
0x140: {  	[tilespmem:$0x150] =	vst v3;
	v3 =	vand.u32 $0xFFFF, v63  }
0x141: {  	[tilespmem:$0x270] =	vst v3;
	v3 =	vshra.s32 v63, $0x10  }
0x142: {  	[tilespmem:$0x170] =	vst v3  }
0x143: {  	[tilespmem:s29], [sflag:$0x1] =	stream.indirect.gather [hbm4b:s6+s26], $0x80, s28, s26, $0xb8;
	[tilespmem:$0x1C880] =	vst v63  }
0x144: {  	_ =	swait.ge [sflag:s9], $0x4000  }
0x145: {  	[sflag:s9] =	ssyncset.done $0x0  }
0x146: {  	[sflag:s9] =	ssyncadd.s32 $0xFFFFC000  }
0x147: {  	[spmem:s2] =	stream.indirect.scatter.add.f32 [tilespmem:s31], [sflag:$0x3], $0x80, s10, s26, $0xb8;
	[tilespmem:$0x1C880] =	vst v63  }
0x148: {  	_ =	swait.ge [sflag:s20], $0x4000  }
0x149: {  	[sflag:s20] =	ssyncset.done $0x0  }
0x14a: {  	[sflag:s20] =	ssyncadd.s32 $0xFFFFC000  }
0x14b: {  	[spmem:s3] =	stream.indirect.scatter.add.f32 [tilespmem:s0], [sflag:$0x3], $0x1, s10, s26, $0xb8;
	[tilespmem:$0x1C880] =	vst v63  }
0x14c: {  	_ =	swait.ge [sflag:s20], $0x80  }
0x14d: {  	[sflag:s20] =	ssyncset.done $0x0  }
0x14e: {  	[sflag:s20] =	ssyncadd.s32 $0xFFFFFF80  }
0x14f: {  	_ =	swait.ge [sflag:s1], $0x4000  }
0x150: {  	[sflag:s1] =	ssyncset.done $0x0  }
0x151: {  	[sflag:s1] =	ssyncadd.s32 $0xFFFFC000  }
0x152: {  	[spmem:s2] =	stream.indirect.scatter.add.f32 [tilespmem:s29], [sflag:$0x3], $0x80, s21, s26, $0xb8;
	[tilespmem:$0x1C880] =	vst v63  }
0x153: {  	_ =	swait.ge [sflag:s20], $0x4000  }
0x154: {  	[sflag:s20] =	ssyncset.done $0x0  }
0x155: {  	[sflag:s20] =	ssyncadd.s32 $0xFFFFC000  }
0x156: {  	[spmem:s3] =	stream.indirect.scatter.add.f32 [tilespmem:s0], [sflag:$0x3], $0x1, s21, s26, $0xb8;
	[tilespmem:$0x1C880] =	vst v63  }
0x157: {  	_ =	swait.ge [sflag:s20], $0x80  }
0x158: {  	[sflag:s20] =	ssyncset.done $0x0  }
0x159: {  	s12 =	stileid.u32;
	[sflag:s20] =	ssyncadd.s32 $0xFFFFFF80  }
0x15a: {  	s12 =	sshll.u32 s12, $0x6;
	[bflag:$0x0] =	sbarrier.arrive $0xFFFF  }
0x15b: {  	s14 =	sshrl.u32 s7, $0x3;
	s12 =	sor.u32 $0x1C03, s12;
	s17 =	rddreg [dreg:$0x7]  }
0x15c: {  	[hbm:s17], [sflag:s12] =	dma.local [spmem:s14], $0x800  }
0x15d: {  	_ =	swait.ge [sflag:s20], $0x800  }
0x15e: {  	[sflag:s20] =	ssyncset.done $0x0  }
0x15f: {  	s17 =	rddreg [dreg:$0x9];
	[sflag:s20] =	ssyncadd.s32 $0xFFFFF800  }
0x160: {  	[hbm:s17], [sflag:s12] =	dma.local [spmem:s22], $0x800  }
0x161: {  	_ =	swait.ge [sflag:s20], $0x800  }
0x162: {  	[sflag:s20] =	ssyncset.done $0x0  }
0x163: {  	[sflag:s20] =	ssyncadd.s32 $0xFFFFF800  }
0x164: {  	[hbm:s15], [sflag:s12] =	dma.local [spmem:s23], $0x800  }
0x165: {  	_ =	swait.ge [sflag:s20], $0x800  }
0x166: {  	[sflag:s20] =	ssyncset.done $0x0  }
0x167: {  	[sflag:s20] =	ssyncadd.s32 $0xFFFFF800  }
0x168: {  	[hbm:s16], [sflag:s12] =	dma.local [spmem:s24], $0x800  }
0x169: {  	_ =	swait.ge [sflag:s20], $0x800  }
0x16a: {  	[sflag:s20] =	ssyncset.done $0x0  }
0x16b: {  	s17 =	rddreg [dreg:$0x5];
	[sflag:s20] =	ssyncadd.s32 $0xFFFFF800  }
0x16c: {  	[hbm:s17], [sflag:s12] =	dma.local [spmem:s25], $0x780  }
0x16d: {  	_ =	swait.ge [sflag:s20], $0x780  }
0x16e: {  	[sflag:s20] =	ssyncset.done $0x0  }
0x16f: {  	s14 =	sshrl.u32 s8, $0x3;
	s17 =	rddreg [dreg:$0x6];
	[sflag:s20] =	ssyncadd.s32 $0xFFFFF880  }
0x170: {  	[hbm:s17], [sflag:s12] =	dma.local [spmem:s14], $0x50  }
0x171: {  	_ =	swait.ge [sflag:s20], $0x50  }
0x172: {  	s11 =	sadd.s32 $0x1, s11;
	s17 =	rddreg [dreg:$0x8]  }
0x173: {  	p0 =	sne.s32 s11, s17  }
.Ltmp2:
0x174: {  	_ = 	snop;
	(pc) =	sbr.rel @p0 .LBB2_1-.Ltmp2, $3  }
0x175: {  	_ =	sdelay $0x1  }
0x176: {  	[sflag:s20] =	ssyncset.done $0x0  }
0x177: {  	[sflag:s20] =	ssyncadd.s32 $0xFFFFFFB0  }
0x178: {  	_ =	sfence.sel $0x180000  }
0x179: {  	[bflag:$0x0] =	sbarrier.arrive $0xFFFF  }
0x17a: {  	_ =	strace $0x90000047  }
0x17b: {  	s0 =	stileid.u32;
	[bflag:$0x2] =	sbarrier.arrive $0xFFFF  }
0x17c: {  	p0 =	sne.s32 s0, $0x0;
	s0 =	rddreg [dreg:$0x3]  }
0x17d: {  	s0 =	sadd.s32 @!p0 $0x100000, s0  }
0x17e: {  	[sflag:s0] =	ssyncadd.tile.s32 @!p0 $0x1;
	_ =	shalt  }
.Lfunc_end2:
_tile_overlayer_lowered:
.L_overlay_start_2:
0x17f: {  	(tag) =	ssettag $0x2  }
0x180: {  	s0 =	rddreg [dreg:$0x0];
	s2 =	stileid.u32  }
0x181: {  	s1 =	rddreg [dreg:$0x1];
	p0 =	sne.s32 s2, $0x0  }
0x182: {  	s3 =	rddreg [dreg:$0x2];
	[bflag:$0x3] =	sbarrier.arrive $0xFFFF;
	s2 =	simm.s32 @!p0 $0x1C03  }
0x183: {  	[timem:s3], [sflag:s2] =	dma.local @!p0 [hbm:s0], s1  }
0x184: {  	s0 =	simm.s32 @!p0 $0x3  }
0x185: {  	_ =	swait.ge @!p0 [sflag:s0], s1  }
0x186: {  	s1 =	ssub.s32 @!p0 $0x0, s1;
	[sflag:s0] =	ssyncset.done @!p0 $0x0  }
0x187: {  	[sflag:s0] =	ssyncadd.s32 @!p0 s1  }
0x188: {  	[bflag:$0x3] =	sbarrier.arrive $0xFFFF  }
0x189: {  	_ =	shalt  }

</sc_bundles>
